<compile_context>
chip_gen: v7x
topology: tpu7x:2x2x1
jax: 0.10.2.dev20260603
libtpu: 0.0.44.dev20260713+nightly
codegen_flags: <defaults>
</compile_context>

<pallas_src>
import functools

import jax
import jax.numpy as jnp
from jax import lax
from jax.experimental import pallas as pl
from jax.experimental.pallas import tpu as pltpu
from jax.experimental.pallas import tpu_sc as plsc

OUT_DIM = 32

_PI = 3.14159265358979
_INV_PI = 0.3183098861837907
_MAGIC = 12582912.0

_S3 = -1.0 / 6.0
_S5 = 1.0 / 120.0
_S7 = -1.0 / 5040.0
_S9 = 1.0 / 362880.0


def _sin(x):
    y = x * _INV_PI
    tmp = y + _MAGIC
    kf = tmp - _MAGIC
    r = x - kf * _PI
    r2 = r * r
    p = _S9
    p = p * r2 + _S7
    p = p * r2 + _S5
    p = p * r2 + _S3
    p = p * r2 + 1.0
    s = r * p
    sgn = (plsc.bitcast(tmp, jnp.int32) & 1) << 31
    return plsc.bitcast(plsc.bitcast(s, jnp.int32) ^ sgn, jnp.float32)


def kernel(cat_idx, norm_time, w0, b0, w, b):
    N = cat_idx.shape[0]
    NW = 32
    C = 128
    rpw = N // NW
    chunks = rpw // C
    assert chunks % 2 == 0

    wc = jnp.concatenate((w, w0), axis=1)
    bc = jnp.concatenate((b, b0), axis=1)

    mesh = plsc.VectorSubcoreMesh(core_axis_name="c", subcore_axis_name="s")

    @functools.partial(
        pl.kernel,
        mesh=mesh,
        compiler_params=pltpu.CompilerParams(
            needs_layout_passes=False, use_tc_tiling_on_sc=False),
        out_type=jax.ShapeDtypeStruct((N, OUT_DIM), jnp.float32),
        scratch_types=[
            pltpu.VMEM((rpw,), jnp.int32),
            pltpu.VMEM((rpw,), jnp.float32),
            pltpu.VMEM((2, C, OUT_DIM), jnp.float32),
            pltpu.VMEM((2, C, OUT_DIM), jnp.float32),
            pltpu.VMEM((2, C, OUT_DIM), jnp.float32),
            pltpu.SemaphoreType.DMA,
            pltpu.SemaphoreType.DMA,
            pltpu.SemaphoreType.DMA,
            pltpu.SemaphoreType.DMA,
        ],
    )
    def sc_kernel(idx_hbm, t_hbm, w_hbm, b_hbm, out_hbm,
                  idx_a, t_a, w_v, b_v, o_v, gsem0, gsem1, osem0, osem1):
        wid = lax.axis_index("s") * 2 + lax.axis_index("c")
        wbase = wid * rpw
        pltpu.sync_copy(idx_hbm.at[pl.ds(wbase, rpw)], idx_a)
        pltpu.sync_copy(t_hbm.at[pl.ds(wbase, rpw)], t_a)
        gsems = (gsem0, gsem1)
        osems = (osem0, osem1)

        def issue_gathers(ci, buf):
            isl = idx_a.at[pl.ds(ci * C, C)]
            pltpu.async_copy(w_hbm.at[isl], w_v.at[buf], gsems[buf])
            pltpu.async_copy(b_hbm.at[isl], b_v.at[buf], gsems[buf])

        def wait_gathers(buf):
            pltpu.make_async_copy(w_hbm.at[pl.ds(0, C)], w_v.at[buf],
                                  gsems[buf]).wait()
            pltpu.make_async_copy(b_hbm.at[pl.ds(0, C)], b_v.at[buf],
                                  gsems[buf]).wait()

        def wait_out(buf):
            pltpu.make_async_copy(o_v.at[buf], out_hbm.at[pl.ds(0, C)],
                                  osems[buf]).wait()

        issue_gathers(0, 0)

        def pair_body(p, _):
            for buf in (0, 1):
                ci = p * 2 + buf
                if buf == 0:
                    issue_gathers(ci + 1, 1)
                else:
                    @pl.when(p < chunks // 2 - 1)
                    def _():
                        issue_gathers(ci + 1, 0)
                wait_gathers(buf)

                @pl.when(ci >= 2)
                def _():
                    wait_out(buf)

                wvb = w_v.at[buf]
                bvb = b_v.at[buf]
                ovb = o_v.at[buf]
                @plsc.parallel_loop(0, (C // 16) * OUT_DIM, unroll=4)
                def _(i):
                    g = i >> 5
                    j = i & (OUT_DIM - 1)
                    lanes = lax.iota(jnp.int32, 16)
                    rows = lanes + g * 16
                    tv = t_a[pl.ds(pl.multiple_of(ci * C + g * 16, 16), 16)]
                    cj = (lanes + j) & (OUT_DIM - 1)
                    wv = plsc.load_gather(wvb, [rows, cj])
                    bv = plsc.load_gather(bvb, [rows, cj])
                    a = tv * wv + bv
                    s = jnp.where(cj < OUT_DIM - 1, _sin(a), a)
                    plsc.store_scatter(ovb, [rows, cj], s)

                pltpu.async_copy(
                    ovb, out_hbm.at[pl.ds(wbase + ci * C, C)], osems[buf])
            return 0

        lax.fori_loop(0, chunks // 2, pair_body, 0)
        wait_out(0)
        wait_out(1)

    return sc_kernel(cat_idx, norm_time, wc, bc)

# --- scband reference (transcript-rebuilt; emitter-appended) ---
"""Pipeline reference for scband-cat-time2-vec-53635551592498 (READ-ONLY COPY).

The authoritative reference and input builder live on the scoring server;
editing this copy changes nothing except your own understanding.
"""

import jax, jax.numpy as jnp
import numpy as np

CAT_NUM = 1000000
OUT_DIM = 32
N = 819200


def setup_inputs(seed: int = 0) -> dict:
    key = jax.random.key(seed)
    k1, k2, k3, k4, k5, k6 = jax.random.split(key, 6)
    cat_idx = jax.random.randint(k1, (N,), 0, CAT_NUM, dtype=jnp.int32)
    norm_time = jax.random.uniform(k2, (N,), dtype=jnp.float32)
    w0 = jax.random.normal(k3, (CAT_NUM, 1), dtype=jnp.float32)
    b0 = jax.random.normal(k4, (CAT_NUM, 1), dtype=jnp.float32)
    w = jax.random.normal(k5, (CAT_NUM, OUT_DIM - 1), dtype=jnp.float32)
    b = jax.random.normal(k6, (CAT_NUM, OUT_DIM - 1), dtype=jnp.float32)
    return {"cat_idx": cat_idx, "norm_time": norm_time, "w0": w0, "b0": b0, "w": w, "b": b}


def reference(cat_idx, norm_time, w0, b0, w, b):
    wg = jnp.take(w, cat_idx, axis=0)
    bg = jnp.take(b, cat_idx, axis=0)
    w0g = jnp.take(w0, cat_idx, axis=0)
    b0g = jnp.take(b0, cat_idx, axis=0)
    t = norm_time.reshape(-1, 1)
    v1 = jnp.sin(t * wg + bg)
    v2 = t * w0g + b0g
    return jnp.concatenate((v1, v2), axis=-1)

if __name__ == "__main__":
    import jax
    _d = setup_inputs()
    print(jax.jit(kernel)(*tuple(_d.values())))

</pallas_src>

<mosaic_0001>
#map = affine_map<(d0, d1) -> (0)>
#map1 = affine_map<(d0, d1) -> (0, 0)>
module attributes {stable_mosaic.version = 14 : i64} {
  func.func @sc_kernel(%arg0: i32, %arg1: i32, %arg2: memref<819200xi32, #tpu.memory_space<hbm>>, %arg3: memref<819200xf32, #tpu.memory_space<hbm>>, %arg4: memref<1000000x32xf32, #tpu.memory_space<hbm>>, %arg5: memref<1000000x32xf32, #tpu.memory_space<hbm>>, %arg6: memref<819200x32xf32, #tpu.memory_space<hbm>>, %arg7: memref<25600xi32, #tpu.memory_space<vmem>>, %arg8: memref<25600xf32, #tpu.memory_space<vmem>>, %arg9: memref<2x128x32xf32, #tpu.memory_space<vmem>>, %arg10: memref<2x128x32xf32, #tpu.memory_space<vmem>>, %arg11: memref<2x128x32xf32, #tpu.memory_space<vmem>>, %arg12: memref<!tpu.dma_semaphore, #tpu.memory_space<semaphore_mem>>, %arg13: memref<!tpu.dma_semaphore, #tpu.memory_space<semaphore_mem>>, %arg14: memref<!tpu.dma_semaphore, #tpu.memory_space<semaphore_mem>>, %arg15: memref<!tpu.dma_semaphore, #tpu.memory_space<semaphore_mem>>) attributes {dimension_semantics = [#tpu.dimension_semantics<core_parallel>, #tpu.dimension_semantics<subcore_parallel>], iteration_bounds = array<i64: 2, 16>, scalar_prefetch = 0 : i64, scratch_operands = 9 : i64, tpu.core_type = #tpu.core_type<sc_vector_subcore>, window_params = [{transform_indices = #map}, {transform_indices = #map}, {transform_indices = #map1}, {transform_indices = #map1}, {transform_indices = #map1}]} {
    %mul3A = arith.constant 2 : i32
    %mul3A_0 = arith.muli %arg1, %mul3A : i32
    %add3A = arith.addi %mul3A_0, %arg0 : i32
    %mul3A_1 = arith.constant 25600 : i32
    %mul3A_2 = arith.muli %add3A, %mul3A_1 : i32
    "tpu.region"() ({
      %run_scoped3A = tpu.sem_alloc : memref<!tpu.dma_semaphore, #tpu.memory_space<semaphore_mem>>
      %dma_start3A_57 = tpu.memref_slice %arg2[%mul3A_2] : memref<819200xi32, #tpu.memory_space<hbm>> -> memref<25600xi32, #tpu.memory_space<hbm>>
      %dma_start3A_58 = tpu.memref_slice %arg2[%mul3A_2] : memref<819200xi32, #tpu.memory_space<hbm>> -> memref<25600xi32, #tpu.memory_space<hbm>>
      tpu.enqueue_dma source(%dma_start3A_58 : memref<25600xi32, #tpu.memory_space<hbm>>) target(%arg7 : memref<25600xi32, #tpu.memory_space<vmem>>) target_semaphore(%run_scoped3A : memref<!tpu.dma_semaphore, #tpu.memory_space<semaphore_mem>>)
      %dma_wait3A_59 = tpu.memref_slice %arg2[%mul3A_2] : memref<819200xi32, #tpu.memory_space<hbm>> -> memref<25600xi32, #tpu.memory_space<hbm>>
      %dma_wait3A_60 = tpu.memref_slice %arg2[%mul3A_2] : memref<819200xi32, #tpu.memory_space<hbm>> -> memref<25600xi32, #tpu.memory_space<hbm>>
      tpu.wait_dma2 semaphore(%run_scoped3A : memref<!tpu.dma_semaphore, #tpu.memory_space<semaphore_mem>>) src(%dma_wait3A_60 : memref<25600xi32, #tpu.memory_space<hbm>>) dst(%arg7 : memref<25600xi32, #tpu.memory_space<vmem>>)
      tpu.yield
    }) : () -> ()
    "tpu.region"() ({
      %run_scoped3A = tpu.sem_alloc : memref<!tpu.dma_semaphore, #tpu.memory_space<semaphore_mem>>
      %dma_start3A_57 = tpu.memref_slice %arg3[%mul3A_2] : memref<819200xf32, #tpu.memory_space<hbm>> -> memref<25600xf32, #tpu.memory_space<hbm>>
      %dma_start3A_58 = tpu.memref_slice %arg3[%mul3A_2] : memref<819200xf32, #tpu.memory_space<hbm>> -> memref<25600xf32, #tpu.memory_space<hbm>>
      tpu.enqueue_dma source(%dma_start3A_58 : memref<25600xf32, #tpu.memory_space<hbm>>) target(%arg8 : memref<25600xf32, #tpu.memory_space<vmem>>) target_semaphore(%run_scoped3A : memref<!tpu.dma_semaphore, #tpu.memory_space<semaphore_mem>>)
      %dma_wait3A_59 = tpu.memref_slice %arg3[%mul3A_2] : memref<819200xf32, #tpu.memory_space<hbm>> -> memref<25600xf32, #tpu.memory_space<hbm>>
      %dma_wait3A_60 = tpu.memref_slice %arg3[%mul3A_2] : memref<819200xf32, #tpu.memory_space<hbm>> -> memref<25600xf32, #tpu.memory_space<hbm>>
      tpu.wait_dma2 semaphore(%run_scoped3A : memref<!tpu.dma_semaphore, #tpu.memory_space<semaphore_mem>>) src(%dma_wait3A_60 : memref<25600xf32, #tpu.memory_space<hbm>>) dst(%arg8 : memref<25600xf32, #tpu.memory_space<vmem>>)
      tpu.yield
    }) : () -> ()
    %dma_start3A = arith.constant 0 : i32
    %dma_start3A_3 = arith.constant 0 : i32
    %dma_start3A_4 = arith.constant 0 : i32
    %dma_start3A_5 = tpu.memref_slice %arg9[%dma_start3A, %dma_start3A_3, %dma_start3A_4] : memref<2x128x32xf32, #tpu.memory_space<vmem>> -> memref<1x128x32xf32, #tpu.memory_space<vmem>>
    %dma_start3A_6 = tpu.memref_squeeze %dma_start3A_5 : memref<1x128x32xf32, #tpu.memory_space<vmem>> -> memref<128x32xf32, #tpu.memory_space<vmem>>
    %dma_start3A_7 = arith.constant 0 : i32
    %dma_start3A_8 = tpu.memref_slice %arg7[%dma_start3A_7] : memref<25600xi32, #tpu.memory_space<vmem>> -> memref<128xi32, #tpu.memory_space<vmem>>
    %dma_start3A_9 = arith.constant 0 : i32
    %dma_start3A_10 = arith.constant 0 : i32
    %dma_start3A_11 = tpu.memref_slice %arg4[%dma_start3A_9, %dma_start3A_10] : memref<1000000x32xf32, #tpu.memory_space<hbm>> -> memref<1000000x32xf32, #tpu.memory_space<hbm>>
    tpu.enqueue_indirect_dma source(%dma_start3A_11 : memref<1000000x32xf32, #tpu.memory_space<hbm>>) target(%dma_start3A_6 : memref<128x32xf32, #tpu.memory_space<vmem>>) offsets(%dma_start3A_8 : memref<128xi32, #tpu.memory_space<vmem>>) semaphore(%arg12 : memref<!tpu.dma_semaphore, #tpu.memory_space<semaphore_mem>>)
    %dma_start3A_12 = arith.constant 0 : i32
    %dma_start3A_13 = arith.constant 0 : i32
    %dma_start3A_14 = arith.constant 0 : i32
    %dma_start3A_15 = tpu.memref_slice %arg10[%dma_start3A_12, %dma_start3A_13, %dma_start3A_14] : memref<2x128x32xf32, #tpu.memory_space<vmem>> -> memref<1x128x32xf32, #tpu.memory_space<vmem>>
    %dma_start3A_16 = tpu.memref_squeeze %dma_start3A_15 : memref<1x128x32xf32, #tpu.memory_space<vmem>> -> memref<128x32xf32, #tpu.memory_space<vmem>>
    %dma_start3A_17 = arith.constant 0 : i32
    %dma_start3A_18 = tpu.memref_slice %arg7[%dma_start3A_17] : memref<25600xi32, #tpu.memory_space<vmem>> -> memref<128xi32, #tpu.memory_space<vmem>>
    %dma_start3A_19 = arith.constant 0 : i32
    %dma_start3A_20 = arith.constant 0 : i32
    %dma_start3A_21 = tpu.memref_slice %arg5[%dma_start3A_19, %dma_start3A_20] : memref<1000000x32xf32, #tpu.memory_space<hbm>> -> memref<1000000x32xf32, #tpu.memory_space<hbm>>
    tpu.enqueue_indirect_dma source(%dma_start3A_21 : memref<1000000x32xf32, #tpu.memory_space<hbm>>) target(%dma_start3A_16 : memref<128x32xf32, #tpu.memory_space<vmem>>) offsets(%dma_start3A_18 : memref<128xi32, #tpu.memory_space<vmem>>) semaphore(%arg12 : memref<!tpu.dma_semaphore, #tpu.memory_space<semaphore_mem>>)
    %scan3A = arith.constant 0 : i32
    %scan3A_22 = arith.constant 0 : i32
    %scan3A_23 = arith.constant 100 : i32
    %scan3A_24 = arith.addi %scan3A_22, %scan3A_23 : i32
    %scan3A_25 = arith.constant 1 : i32
    %scan3A_26 = scf.for %scan3A_57 = %scan3A_22 to %scan3A_24 step %scan3A_25 iter_args(%scan3A_58 = %scan3A) -> (i32)  : i32 {
      %mul3A_59 = arith.constant 2 : i32
      %mul3A_60 = arith.muli %scan3A_57, %mul3A_59 : i32
      %add3A_61 = arith.constant 0 : i32
      %add3A_62 = arith.addi %mul3A_60, %add3A_61 : i32
      %add3A_63 = arith.constant 1 : i32
      %add3A_64 = arith.addi %add3A_62, %add3A_63 : i32
      %mul3A_65 = arith.constant 128 : i32
      %mul3A_66 = arith.muli %add3A_64, %mul3A_65 : i32
      %dma_start3A_67 = arith.constant 1 : i32
      %dma_start3A_68 = arith.constant 0 : i32
      %dma_start3A_69 = arith.constant 0 : i32
      %dma_start3A_70 = tpu.memref_slice %arg9[%dma_start3A_67, %dma_start3A_68, %dma_start3A_69] : memref<2x128x32xf32, #tpu.memory_space<vmem>> -> memref<1x128x32xf32, #tpu.memory_space<vmem>>
      %dma_start3A_71 = tpu.memref_squeeze %dma_start3A_70 : memref<1x128x32xf32, #tpu.memory_space<vmem>> -> memref<128x32xf32, #tpu.memory_space<vmem>>
      %dma_start3A_72 = tpu.memref_slice %arg7[%mul3A_66] : memref<25600xi32, #tpu.memory_space<vmem>> -> memref<128xi32, #tpu.memory_space<vmem>>
      %dma_start3A_73 = arith.constant 0 : i32
      %dma_start3A_74 = arith.constant 0 : i32
      %dma_start3A_75 = tpu.memref_slice %arg4[%dma_start3A_73, %dma_start3A_74] : memref<1000000x32xf32, #tpu.memory_space<hbm>> -> memref<1000000x32xf32, #tpu.memory_space<hbm>>
      tpu.enqueue_indirect_dma source(%dma_start3A_75 : memref<1000000x32xf32, #tpu.memory_space<hbm>>) target(%dma_start3A_71 : memref<128x32xf32, #tpu.memory_space<vmem>>) offsets(%dma_start3A_72 : memref<128xi32, #tpu.memory_space<vmem>>) semaphore(%arg13 : memref<!tpu.dma_semaphore, #tpu.memory_space<semaphore_mem>>)
      %dma_start3A_76 = arith.constant 1 : i32
      %dma_start3A_77 = arith.constant 0 : i32
      %dma_start3A_78 = arith.constant 0 : i32
      %dma_start3A_79 = tpu.memref_slice %arg10[%dma_start3A_76, %dma_start3A_77, %dma_start3A_78] : memref<2x128x32xf32, #tpu.memory_space<vmem>> -> memref<1x128x32xf32, #tpu.memory_space<vmem>>
      %dma_start3A_80 = tpu.memref_squeeze %dma_start3A_79 : memref<1x128x32xf32, #tpu.memory_space<vmem>> -> memref<128x32xf32, #tpu.memory_space<vmem>>
      %dma_start3A_81 = tpu.memref_slice %arg7[%mul3A_66] : memref<25600xi32, #tpu.memory_space<vmem>> -> memref<128xi32, #tpu.memory_space<vmem>>
      %dma_start3A_82 = arith.constant 0 : i32
      %dma_start3A_83 = arith.constant 0 : i32
      %dma_start3A_84 = tpu.memref_slice %arg5[%dma_start3A_82, %dma_start3A_83] : memref<1000000x32xf32, #tpu.memory_space<hbm>> -> memref<1000000x32xf32, #tpu.memory_space<hbm>>
      tpu.enqueue_indirect_dma source(%dma_start3A_84 : memref<1000000x32xf32, #tpu.memory_space<hbm>>) target(%dma_start3A_80 : memref<128x32xf32, #tpu.memory_space<vmem>>) offsets(%dma_start3A_81 : memref<128xi32, #tpu.memory_space<vmem>>) semaphore(%arg13 : memref<!tpu.dma_semaphore, #tpu.memory_space<semaphore_mem>>)
      %dma_wait3A_85 = arith.constant 0 : i32
      %dma_wait3A_86 = arith.constant 0 : i32
      %dma_wait3A_87 = arith.constant 0 : i32
      %dma_wait3A_88 = tpu.memref_slice %arg9[%dma_wait3A_85, %dma_wait3A_86, %dma_wait3A_87] : memref<2x128x32xf32, #tpu.memory_space<vmem>> -> memref<1x128x32xf32, #tpu.memory_space<vmem>>
      %dma_wait3A_89 = tpu.memref_squeeze %dma_wait3A_88 : memref<1x128x32xf32, #tpu.memory_space<vmem>> -> memref<128x32xf32, #tpu.memory_space<vmem>>
      %dma_wait3A_90 = arith.constant 0 : i32
      %dma_wait3A_91 = arith.constant 0 : i32
      %dma_wait3A_92 = tpu.memref_slice %arg4[%dma_wait3A_90, %dma_wait3A_91] : memref<1000000x32xf32, #tpu.memory_space<hbm>> -> memref<128x32xf32, #tpu.memory_space<hbm>>
      %dma_wait3A_93 = arith.constant 0 : i32
      %dma_wait3A_94 = arith.constant 0 : i32
      %dma_wait3A_95 = tpu.memref_slice %arg9[%dma_wait3A_85, %dma_wait3A_93, %dma_wait3A_94] : memref<2x128x32xf32, #tpu.memory_space<vmem>> -> memref<1x128x32xf32, #tpu.memory_space<vmem>>
      %dma_wait3A_96 = tpu.memref_squeeze %dma_wait3A_95 : memref<1x128x32xf32, #tpu.memory_space<vmem>> -> memref<128x32xf32, #tpu.memory_space<vmem>>
      %dma_wait3A_97 = arith.constant 0 : i32
      %dma_wait3A_98 = arith.constant 0 : i32
      %dma_wait3A_99 = tpu.memref_slice %arg4[%dma_wait3A_97, %dma_wait3A_98] : memref<1000000x32xf32, #tpu.memory_space<hbm>> -> memref<128x32xf32, #tpu.memory_space<hbm>>
      tpu.wait_dma2 semaphore(%arg12 : memref<!tpu.dma_semaphore, #tpu.memory_space<semaphore_mem>>) src(%dma_wait3A_99 : memref<128x32xf32, #tpu.memory_space<hbm>>) dst(%dma_wait3A_96 : memref<128x32xf32, #tpu.memory_space<vmem>>)
      %dma_wait3A_100 = arith.constant 0 : i32
      %dma_wait3A_101 = arith.constant 0 : i32
      %dma_wait3A_102 = arith.constant 0 : i32
      %dma_wait3A_103 = tpu.memref_slice %arg10[%dma_wait3A_100, %dma_wait3A_101, %dma_wait3A_102] : memref<2x128x32xf32, #tpu.memory_space<vmem>> -> memref<1x128x32xf32, #tpu.memory_space<vmem>>
      %dma_wait3A_104 = tpu.memref_squeeze %dma_wait3A_103 : memref<1x128x32xf32, #tpu.memory_space<vmem>> -> memref<128x32xf32, #tpu.memory_space<vmem>>
      %dma_wait3A_105 = arith.constant 0 : i32
      %dma_wait3A_106 = arith.constant 0 : i32
      %dma_wait3A_107 = tpu.memref_slice %arg5[%dma_wait3A_105, %dma_wait3A_106] : memref<1000000x32xf32, #tpu.memory_space<hbm>> -> memref<128x32xf32, #tpu.memory_space<hbm>>
      %dma_wait3A_108 = arith.constant 0 : i32
      %dma_wait3A_109 = arith.constant 0 : i32
      %dma_wait3A_110 = tpu.memref_slice %arg10[%dma_wait3A_100, %dma_wait3A_108, %dma_wait3A_109] : memref<2x128x32xf32, #tpu.memory_space<vmem>> -> memref<1x128x32xf32, #tpu.memory_space<vmem>>
      %dma_wait3A_111 = tpu.memref_squeeze %dma_wait3A_110 : memref<1x128x32xf32, #tpu.memory_space<vmem>> -> memref<128x32xf32, #tpu.memory_space<vmem>>
      %dma_wait3A_112 = arith.constant 0 : i32
      %dma_wait3A_113 = arith.constant 0 : i32
      %dma_wait3A_114 = tpu.memref_slice %arg5[%dma_wait3A_112, %dma_wait3A_113] : memref<1000000x32xf32, #tpu.memory_space<hbm>> -> memref<128x32xf32, #tpu.memory_space<hbm>>
      tpu.wait_dma2 semaphore(%arg12 : memref<!tpu.dma_semaphore, #tpu.memory_space<semaphore_mem>>) src(%dma_wait3A_114 : memref<128x32xf32, #tpu.memory_space<hbm>>) dst(%dma_wait3A_111 : memref<128x32xf32, #tpu.memory_space<vmem>>)
      %ge3A = arith.constant 2 : i32
      %ge3A_115 = arith.cmpi sge, %add3A_62, %ge3A : i32
      %convert_element_type3A = arith.extui %ge3A_115 : i1 to i32
      %cond3A = arith.constant 0 : i32
      %cond3A_116 = arith.cmpi ne, %convert_element_type3A, %cond3A : i32
      scf.if %cond3A_116 {
        %dma_wait3A_204 = arith.constant 0 : i32
        %dma_wait3A_205 = arith.constant 0 : i32
        %dma_wait3A_206 = arith.constant 0 : i32
        %dma_wait3A_207 = tpu.memref_slice %arg11[%dma_wait3A_204, %dma_wait3A_205, %dma_wait3A_206] : memref<2x128x32xf32, #tpu.memory_space<vmem>> -> memref<1x128x32xf32, #tpu.memory_space<vmem>>
        %dma_wait3A_208 = tpu.memref_squeeze %dma_wait3A_207 : memref<1x128x32xf32, #tpu.memory_space<vmem>> -> memref<128x32xf32, #tpu.memory_space<vmem>>
        %dma_wait3A_209 = arith.constant 0 : i32
        %dma_wait3A_210 = arith.constant 0 : i32
        %dma_wait3A_211 = tpu.memref_slice %arg6[%dma_wait3A_209, %dma_wait3A_210] : memref<819200x32xf32, #tpu.memory_space<hbm>> -> memref<128x32xf32, #tpu.memory_space<hbm>>
        %dma_wait3A_212 = arith.constant 0 : i32
        %dma_wait3A_213 = arith.constant 0 : i32
        %dma_wait3A_214 = tpu.memref_slice %arg6[%dma_wait3A_212, %dma_wait3A_213] : memref<819200x32xf32, #tpu.memory_space<hbm>> -> memref<128x32xf32, #tpu.memory_space<hbm>>
        %dma_wait3A_215 = arith.constant 0 : i32
        %dma_wait3A_216 = arith.constant 0 : i32
        %dma_wait3A_217 = tpu.memref_slice %arg11[%dma_wait3A_204, %dma_wait3A_215, %dma_wait3A_216] : memref<2x128x32xf32, #tpu.memory_space<vmem>> -> memref<1x128x32xf32, #tpu.memory_space<vmem>>
        %dma_wait3A_218 = tpu.memref_squeeze %dma_wait3A_217 : memref<1x128x32xf32, #tpu.memory_space<vmem>> -> memref<128x32xf32, #tpu.memory_space<vmem>>
        tpu.wait_dma2 semaphore(%arg14 : memref<!tpu.dma_semaphore, #tpu.memory_space<semaphore_mem>>) src(%dma_wait3A_218 : memref<128x32xf32, #tpu.memory_space<vmem>>) dst(%dma_wait3A_214 : memref<128x32xf32, #tpu.memory_space<hbm>>)
      } else {
      }
      %parallel_loop3A = arith.constant 0 : i32
      %parallel_loop3A_117 = arith.constant 256 : i32
      %parallel_loop3A_118 = arith.constant 1 : i32
      %parallel_loop3A_119 = arith.constant 0 : i32
      %parallel_loop3A_120 = arith.constant 0 : i32
      %parallel_loop3A_121 = arith.constant 0 : i32
      scf.for %parallel_loop3A_204 = %parallel_loop3A to %parallel_loop3A_117 step %parallel_loop3A_118  : i32 {
        %parallel_loop3A_205 = arith.constant 5 : i32
        %parallel_loop3A_206 = arith.shrsi %parallel_loop3A_204, %parallel_loop3A_205 : i32
        %parallel_loop3A_207 = arith.constant 31 : i32
        %parallel_loop3A_208 = arith.andi %parallel_loop3A_204, %parallel_loop3A_207 : i32
        %parallel_loop3A_209 = tpu.iota {dimensions = array<i32: 0>} : vector<16xi32>
        %parallel_loop3A_210 = arith.constant 16 : i32
        %parallel_loop3A_211 = arith.muli %parallel_loop3A_206, %parallel_loop3A_210 : i32
        %parallel_loop3A_212 = vector.broadcast %parallel_loop3A_211 : i32 to vector<16xi32>
        %parallel_loop3A_213 = arith.addi %parallel_loop3A_209, %parallel_loop3A_212 : vector<16xi32>
        %parallel_loop3A_214 = arith.constant 128 : i32
        %parallel_loop3A_215 = arith.muli %add3A_62, %parallel_loop3A_214 : i32
        %parallel_loop3A_216 = arith.constant 16 : i32
        %parallel_loop3A_217 = arith.muli %parallel_loop3A_206, %parallel_loop3A_216 : i32
        %parallel_loop3A_218 = arith.addi %parallel_loop3A_215, %parallel_loop3A_217 : i32
        %parallel_loop3A_219 = tpu.assume_multiple %parallel_loop3A_218, 16 : i32
        %parallel_loop3A_220 = arith.index_cast %parallel_loop3A_219 : i32 to index
        %parallel_loop3A_221 = tpu.vector_load %arg8[%parallel_loop3A_220] {strides = array<i32>} : memref<25600xf32, #tpu.memory_space<vmem>>, vector<16xf32>,
        %parallel_loop3A_222 = vector.broadcast %parallel_loop3A_208 : i32 to vector<16xi32>
        %parallel_loop3A_223 = arith.addi %parallel_loop3A_209, %parallel_loop3A_222 : vector<16xi32>
        %parallel_loop3A_224 = arith.constant 31 : i32
        %parallel_loop3A_225 = vector.broadcast %parallel_loop3A_224 : i32 to vector<16xi32>
        %parallel_loop3A_226 = arith.andi %parallel_loop3A_223, %parallel_loop3A_225 : vector<16xi32>
        %parallel_loop3A_227 = arith.constant 0 : i32
        %parallel_loop3A_228 = arith.constant 0 : i32
        %parallel_loop3A_229 = tpu.memref_slice %arg9[%parallel_loop3A_119, %parallel_loop3A_227, %parallel_loop3A_228] : memref<2x128x32xf32, #tpu.memory_space<vmem>> -> memref<1x128x32xf32, #tpu.memory_space<vmem>>
        %parallel_loop3A_230 = tpu.memref_squeeze %parallel_loop3A_229 : memref<1x128x32xf32, #tpu.memory_space<vmem>> -> memref<128x32xf32, #tpu.memory_space<vmem>>
        %parallel_loop3A_231 = tpu.vector_load_idx %parallel_loop3A_230[%parallel_loop3A_213, %parallel_loop3A_226] : memref<128x32xf32, #tpu.memory_space<vmem>>[vector<16xi32>, vector<16xi32>], vector<16xf32>,
        %parallel_loop3A_232 = arith.constant 0 : i32
        %parallel_loop3A_233 = arith.constant 0 : i32
        %parallel_loop3A_234 = tpu.memref_slice %arg10[%parallel_loop3A_120, %parallel_loop3A_232, %parallel_loop3A_233] : memref<2x128x32xf32, #tpu.memory_space<vmem>> -> memref<1x128x32xf32, #tpu.memory_space<vmem>>
        %parallel_loop3A_235 = tpu.memref_squeeze %parallel_loop3A_234 : memref<1x128x32xf32, #tpu.memory_space<vmem>> -> memref<128x32xf32, #tpu.memory_space<vmem>>
        %parallel_loop3A_236 = tpu.vector_load_idx %parallel_loop3A_235[%parallel_loop3A_213, %parallel_loop3A_226] : memref<128x32xf32, #tpu.memory_space<vmem>>[vector<16xi32>, vector<16xi32>], vector<16xf32>,
        %parallel_loop3A_237 = arith.mulf %parallel_loop3A_221, %parallel_loop3A_231 : vector<16xf32>
        %parallel_loop3A_238 = arith.addf %parallel_loop3A_237, %parallel_loop3A_236 : vector<16xf32>
        %parallel_loop3A_239 = arith.constant 31 : i32
        %parallel_loop3A_240 = vector.broadcast %parallel_loop3A_239 : i32 to vector<16xi32>
        %parallel_loop3A_241 = arith.cmpi slt, %parallel_loop3A_226, %parallel_loop3A_240 : vector<16xi32>
        %parallel_loop3A_242 = arith.constant 0.318309873 : f32
        %parallel_loop3A_243 = vector.broadcast %parallel_loop3A_242 : f32 to vector<16xf32>
        %parallel_loop3A_244 = arith.mulf %parallel_loop3A_238, %parallel_loop3A_243 : vector<16xf32>
        %parallel_loop3A_245 = arith.constant 0x4B400000 : f32
        %parallel_loop3A_246 = vector.broadcast %parallel_loop3A_245 : f32 to vector<16xf32>
        %parallel_loop3A_247 = arith.addf %parallel_loop3A_244, %parallel_loop3A_246 : vector<16xf32>
        %parallel_loop3A_248 = arith.constant 0x4B400000 : f32
        %parallel_loop3A_249 = vector.broadcast %parallel_loop3A_248 : f32 to vector<16xf32>
        %parallel_loop3A_250 = arith.subf %parallel_loop3A_247, %parallel_loop3A_249 : vector<16xf32>
        %parallel_loop3A_251 = arith.constant 3.14159274 : f32
        %parallel_loop3A_252 = vector.broadcast %parallel_loop3A_251 : f32 to vector<16xf32>
        %parallel_loop3A_253 = arith.mulf %parallel_loop3A_250, %parallel_loop3A_252 : vector<16xf32>
        %parallel_loop3A_254 = arith.subf %parallel_loop3A_238, %parallel_loop3A_253 : vector<16xf32>
        %parallel_loop3A_255 = arith.mulf %parallel_loop3A_254, %parallel_loop3A_254 : vector<16xf32>
        %parallel_loop3A_256 = arith.constant 2.75573188E-6 : f32
        %parallel_loop3A_257 = vector.broadcast %parallel_loop3A_256 : f32 to vector<16xf32>
        %parallel_loop3A_258 = arith.mulf %parallel_loop3A_257, %parallel_loop3A_255 : vector<16xf32>
        %parallel_loop3A_259 = arith.constant -1.98412701E-4 : f32
        %parallel_loop3A_260 = vector.broadcast %parallel_loop3A_259 : f32 to vector<16xf32>
        %parallel_loop3A_261 = arith.addf %parallel_loop3A_258, %parallel_loop3A_260 : vector<16xf32>
        %parallel_loop3A_262 = arith.mulf %parallel_loop3A_261, %parallel_loop3A_255 : vector<16xf32>
        %parallel_loop3A_263 = arith.constant 0.00833333377 : f32
        %parallel_loop3A_264 = vector.broadcast %parallel_loop3A_263 : f32 to vector<16xf32>
        %parallel_loop3A_265 = arith.addf %parallel_loop3A_262, %parallel_loop3A_264 : vector<16xf32>
        %parallel_loop3A_266 = arith.mulf %parallel_loop3A_265, %parallel_loop3A_255 : vector<16xf32>
        %parallel_loop3A_267 = arith.constant -0.166666672 : f32
        %parallel_loop3A_268 = vector.broadcast %parallel_loop3A_267 : f32 to vector<16xf32>
        %parallel_loop3A_269 = arith.addf %parallel_loop3A_266, %parallel_loop3A_268 : vector<16xf32>
        %parallel_loop3A_270 = arith.mulf %parallel_loop3A_269, %parallel_loop3A_255 : vector<16xf32>
        %parallel_loop3A_271 = arith.constant 1.000000e+00 : f32
        %parallel_loop3A_272 = vector.broadcast %parallel_loop3A_271 : f32 to vector<16xf32>
        %parallel_loop3A_273 = arith.addf %parallel_loop3A_270, %parallel_loop3A_272 : vector<16xf32>
        %parallel_loop3A_274 = arith.mulf %parallel_loop3A_254, %parallel_loop3A_273 : vector<16xf32>
        %parallel_loop3A_275 = vector.bitcast %parallel_loop3A_247 : vector<16xf32> to vector<16xi32>
        %parallel_loop3A_276 = arith.constant 1 : i32
        %parallel_loop3A_277 = vector.broadcast %parallel_loop3A_276 : i32 to vector<16xi32>
        %parallel_loop3A_278 = arith.andi %parallel_loop3A_275, %parallel_loop3A_277 : vector<16xi32>
        %parallel_loop3A_279 = arith.constant 31 : i32
        %parallel_loop3A_280 = vector.broadcast %parallel_loop3A_279 : i32 to vector<16xi32>
        %parallel_loop3A_281 = arith.shli %parallel_loop3A_278, %parallel_loop3A_280 : vector<16xi32>
        %parallel_loop3A_282 = vector.bitcast %parallel_loop3A_274 : vector<16xf32> to vector<16xi32>
        %parallel_loop3A_283 = arith.xori %parallel_loop3A_282, %parallel_loop3A_281 : vector<16xi32>
        %parallel_loop3A_284 = vector.bitcast %parallel_loop3A_283 : vector<16xi32> to vector<16xf32>
        %parallel_loop3A_285 = arith.select %parallel_loop3A_241, %parallel_loop3A_284, %parallel_loop3A_238 : vector<16xi1>, vector<16xf32>
        %parallel_loop3A_286 = arith.constant 0 : i32
        %parallel_loop3A_287 = arith.constant 0 : i32
        %parallel_loop3A_288 = tpu.memref_slice %arg11[%parallel_loop3A_121, %parallel_loop3A_286, %parallel_loop3A_287] : memref<2x128x32xf32, #tpu.memory_space<vmem>> -> memref<1x128x32xf32, #tpu.memory_space<vmem>>
        %parallel_loop3A_289 = tpu.memref_squeeze %parallel_loop3A_288 : memref<1x128x32xf32, #tpu.memory_space<vmem>> -> memref<128x32xf32, #tpu.memory_space<vmem>>
        tpu.vector_store_idx %parallel_loop3A_289[%parallel_loop3A_213, %parallel_loop3A_226], %parallel_loop3A_285 : memref<128x32xf32, #tpu.memory_space<vmem>>[vector<16xi32>, vector<16xi32>], vector<16xf32>,
      } {sc.loop_unroll_factor = 4 : i64, sc.parallel_access}
      %mul3A_122 = arith.constant 128 : i32
      %mul3A_123 = arith.muli %add3A_62, %mul3A_122 : i32
      %add3A_124 = arith.addi %mul3A_2, %mul3A_123 : i32
      %dma_start3A_125 = arith.constant 0 : i32
      %dma_start3A_126 = arith.constant 0 : i32
      %dma_start3A_127 = arith.constant 0 : i32
      %dma_start3A_128 = tpu.memref_slice %arg11[%dma_start3A_125, %dma_start3A_126, %dma_start3A_127] : memref<2x128x32xf32, #tpu.memory_space<vmem>> -> memref<1x128x32xf32, #tpu.memory_space<vmem>>
      %dma_start3A_129 = tpu.memref_squeeze %dma_start3A_128 : memref<1x128x32xf32, #tpu.memory_space<vmem>> -> memref<128x32xf32, #tpu.memory_space<vmem>>
      %dma_start3A_130 = arith.constant 0 : i32
      %dma_start3A_131 = tpu.memref_slice %arg6[%add3A_124, %dma_start3A_130] : memref<819200x32xf32, #tpu.memory_space<hbm>> -> memref<128x32xf32, #tpu.memory_space<hbm>>
      %dma_start3A_132 = arith.constant 0 : i32
      %dma_start3A_133 = tpu.memref_slice %arg6[%add3A_124, %dma_start3A_132] : memref<819200x32xf32, #tpu.memory_space<hbm>> -> memref<128x32xf32, #tpu.memory_space<hbm>>
      %dma_start3A_134 = arith.constant 0 : i32
      %dma_start3A_135 = arith.constant 0 : i32
      %dma_start3A_136 = tpu.memref_slice %arg11[%dma_start3A_125, %dma_start3A_134, %dma_start3A_135] : memref<2x128x32xf32, #tpu.memory_space<vmem>> -> memref<1x128x32xf32, #tpu.memory_space<vmem>>
      %dma_start3A_137 = tpu.memref_squeeze %dma_start3A_136 : memref<1x128x32xf32, #tpu.memory_space<vmem>> -> memref<128x32xf32, #tpu.memory_space<vmem>>
      tpu.enqueue_dma source(%dma_start3A_137 : memref<128x32xf32, #tpu.memory_space<vmem>>) target(%dma_start3A_133 : memref<128x32xf32, #tpu.memory_space<hbm>>) target_semaphore(%arg14 : memref<!tpu.dma_semaphore, #tpu.memory_space<semaphore_mem>>)
      %mul3A_138 = arith.constant 2 : i32
      %mul3A_139 = arith.muli %scan3A_57, %mul3A_138 : i32
      %add3A_140 = arith.constant 1 : i32
      %add3A_141 = arith.addi %mul3A_139, %add3A_140 : i32
      %lt3A = arith.constant 99 : i32
      %lt3A_142 = arith.cmpi slt, %scan3A_57, %lt3A : i32
      %convert_element_type3A_143 = arith.extui %lt3A_142 : i1 to i32
      %cond3A_144 = arith.constant 0 : i32
      %cond3A_145 = arith.cmpi ne, %convert_element_type3A_143, %cond3A_144 : i32
      scf.if %cond3A_145 {
        %add3A_204 = arith.constant 1 : i32
        %add3A_205 = arith.addi %add3A_141, %add3A_204 : i32
        %mul3A_206 = arith.constant 128 : i32
        %mul3A_207 = arith.muli %add3A_205, %mul3A_206 : i32
        %dma_start3A_208 = arith.constant 0 : i32
        %dma_start3A_209 = arith.constant 0 : i32
        %dma_start3A_210 = arith.constant 0 : i32
        %dma_start3A_211 = tpu.memref_slice %arg9[%dma_start3A_208, %dma_start3A_209, %dma_start3A_210] : memref<2x128x32xf32, #tpu.memory_space<vmem>> -> memref<1x128x32xf32, #tpu.memory_space<vmem>>
        %dma_start3A_212 = tpu.memref_squeeze %dma_start3A_211 : memref<1x128x32xf32, #tpu.memory_space<vmem>> -> memref<128x32xf32, #tpu.memory_space<vmem>>
        %dma_start3A_213 = tpu.memref_slice %arg7[%mul3A_207] : memref<25600xi32, #tpu.memory_space<vmem>> -> memref<128xi32, #tpu.memory_space<vmem>>
        %dma_start3A_214 = arith.constant 0 : i32
        %dma_start3A_215 = arith.constant 0 : i32
        %dma_start3A_216 = tpu.memref_slice %arg4[%dma_start3A_214, %dma_start3A_215] : memref<1000000x32xf32, #tpu.memory_space<hbm>> -> memref<1000000x32xf32, #tpu.memory_space<hbm>>
        tpu.enqueue_indirect_dma source(%dma_start3A_216 : memref<1000000x32xf32, #tpu.memory_space<hbm>>) target(%dma_start3A_212 : memref<128x32xf32, #tpu.memory_space<vmem>>) offsets(%dma_start3A_213 : memref<128xi32, #tpu.memory_space<vmem>>) semaphore(%arg12 : memref<!tpu.dma_semaphore, #tpu.memory_space<semaphore_mem>>)
        %dma_start3A_217 = arith.constant 0 : i32
        %dma_start3A_218 = arith.constant 0 : i32
        %dma_start3A_219 = arith.constant 0 : i32
        %dma_start3A_220 = tpu.memref_slice %arg10[%dma_start3A_217, %dma_start3A_218, %dma_start3A_219] : memref<2x128x32xf32, #tpu.memory_space<vmem>> -> memref<1x128x32xf32, #tpu.memory_space<vmem>>
        %dma_start3A_221 = tpu.memref_squeeze %dma_start3A_220 : memref<1x128x32xf32, #tpu.memory_space<vmem>> -> memref<128x32xf32, #tpu.memory_space<vmem>>
        %dma_start3A_222 = tpu.memref_slice %arg7[%mul3A_207] : memref<25600xi32, #tpu.memory_space<vmem>> -> memref<128xi32, #tpu.memory_space<vmem>>
        %dma_start3A_223 = arith.constant 0 : i32
        %dma_start3A_224 = arith.constant 0 : i32
        %dma_start3A_225 = tpu.memref_slice %arg5[%dma_start3A_223, %dma_start3A_224] : memref<1000000x32xf32, #tpu.memory_space<hbm>> -> memref<1000000x32xf32, #tpu.memory_space<hbm>>
        tpu.enqueue_indirect_dma source(%dma_start3A_225 : memref<1000000x32xf32, #tpu.memory_space<hbm>>) target(%dma_start3A_221 : memref<128x32xf32, #tpu.memory_space<vmem>>) offsets(%dma_start3A_222 : memref<128xi32, #tpu.memory_space<vmem>>) semaphore(%arg12 : memref<!tpu.dma_semaphore, #tpu.memory_space<semaphore_mem>>)
      } else {
      }
      %dma_wait3A_146 = arith.constant 1 : i32
      %dma_wait3A_147 = arith.constant 0 : i32
      %dma_wait3A_148 = arith.constant 0 : i32
      %dma_wait3A_149 = tpu.memref_slice %arg9[%dma_wait3A_146, %dma_wait3A_147, %dma_wait3A_148] : memref<2x128x32xf32, #tpu.memory_space<vmem>> -> memref<1x128x32xf32, #tpu.memory_space<vmem>>
      %dma_wait3A_150 = tpu.memref_squeeze %dma_wait3A_149 : memref<1x128x32xf32, #tpu.memory_space<vmem>> -> memref<128x32xf32, #tpu.memory_space<vmem>>
      %dma_wait3A_151 = arith.constant 0 : i32
      %dma_wait3A_152 = arith.constant 0 : i32
      %dma_wait3A_153 = tpu.memref_slice %arg4[%dma_wait3A_151, %dma_wait3A_152] : memref<1000000x32xf32, #tpu.memory_space<hbm>> -> memref<128x32xf32, #tpu.memory_space<hbm>>
      %dma_wait3A_154 = arith.constant 0 : i32
      %dma_wait3A_155 = arith.constant 0 : i32
      %dma_wait3A_156 = tpu.memref_slice %arg9[%dma_wait3A_146, %dma_wait3A_154, %dma_wait3A_155] : memref<2x128x32xf32, #tpu.memory_space<vmem>> -> memref<1x128x32xf32, #tpu.memory_space<vmem>>
      %dma_wait3A_157 = tpu.memref_squeeze %dma_wait3A_156 : memref<1x128x32xf32, #tpu.memory_space<vmem>> -> memref<128x32xf32, #tpu.memory_space<vmem>>
      %dma_wait3A_158 = arith.constant 0 : i32
      %dma_wait3A_159 = arith.constant 0 : i32
      %dma_wait3A_160 = tpu.memref_slice %arg4[%dma_wait3A_158, %dma_wait3A_159] : memref<1000000x32xf32, #tpu.memory_space<hbm>> -> memref<128x32xf32, #tpu.memory_space<hbm>>
      tpu.wait_dma2 semaphore(%arg13 : memref<!tpu.dma_semaphore, #tpu.memory_space<semaphore_mem>>) src(%dma_wait3A_160 : memref<128x32xf32, #tpu.memory_space<hbm>>) dst(%dma_wait3A_157 : memref<128x32xf32, #tpu.memory_space<vmem>>)
      %dma_wait3A_161 = arith.constant 1 : i32
      %dma_wait3A_162 = arith.constant 0 : i32
      %dma_wait3A_163 = arith.constant 0 : i32
      %dma_wait3A_164 = tpu.memref_slice %arg10[%dma_wait3A_161, %dma_wait3A_162, %dma_wait3A_163] : memref<2x128x32xf32, #tpu.memory_space<vmem>> -> memref<1x128x32xf32, #tpu.memory_space<vmem>>
      %dma_wait3A_165 = tpu.memref_squeeze %dma_wait3A_164 : memref<1x128x32xf32, #tpu.memory_space<vmem>> -> memref<128x32xf32, #tpu.memory_space<vmem>>
      %dma_wait3A_166 = arith.constant 0 : i32
      %dma_wait3A_167 = arith.constant 0 : i32
      %dma_wait3A_168 = tpu.memref_slice %arg5[%dma_wait3A_166, %dma_wait3A_167] : memref<1000000x32xf32, #tpu.memory_space<hbm>> -> memref<128x32xf32, #tpu.memory_space<hbm>>
      %dma_wait3A_169 = arith.constant 0 : i32
      %dma_wait3A_170 = arith.constant 0 : i32
      %dma_wait3A_171 = tpu.memref_slice %arg10[%dma_wait3A_161, %dma_wait3A_169, %dma_wait3A_170] : memref<2x128x32xf32, #tpu.memory_space<vmem>> -> memref<1x128x32xf32, #tpu.memory_space<vmem>>
      %dma_wait3A_172 = tpu.memref_squeeze %dma_wait3A_171 : memref<1x128x32xf32, #tpu.memory_space<vmem>> -> memref<128x32xf32, #tpu.memory_space<vmem>>
      %dma_wait3A_173 = arith.constant 0 : i32
      %dma_wait3A_174 = arith.constant 0 : i32
      %dma_wait3A_175 = tpu.memref_slice %arg5[%dma_wait3A_173, %dma_wait3A_174] : memref<1000000x32xf32, #tpu.memory_space<hbm>> -> memref<128x32xf32, #tpu.memory_space<hbm>>
      tpu.wait_dma2 semaphore(%arg13 : memref<!tpu.dma_semaphore, #tpu.memory_space<semaphore_mem>>) src(%dma_wait3A_175 : memref<128x32xf32, #tpu.memory_space<hbm>>) dst(%dma_wait3A_172 : memref<128x32xf32, #tpu.memory_space<vmem>>)
      %ge3A_176 = arith.constant 2 : i32
      %ge3A_177 = arith.cmpi sge, %add3A_141, %ge3A_176 : i32
      %convert_element_type3A_178 = arith.extui %ge3A_177 : i1 to i32
      %cond3A_179 = arith.constant 0 : i32
      %cond3A_180 = arith.cmpi ne, %convert_element_type3A_178, %cond3A_179 : i32
      scf.if %cond3A_180 {
        %dma_wait3A_204 = arith.constant 1 : i32
        %dma_wait3A_205 = arith.constant 0 : i32
        %dma_wait3A_206 = arith.constant 0 : i32
        %dma_wait3A_207 = tpu.memref_slice %arg11[%dma_wait3A_204, %dma_wait3A_205, %dma_wait3A_206] : memref<2x128x32xf32, #tpu.memory_space<vmem>> -> memref<1x128x32xf32, #tpu.memory_space<vmem>>
        %dma_wait3A_208 = tpu.memref_squeeze %dma_wait3A_207 : memref<1x128x32xf32, #tpu.memory_space<vmem>> -> memref<128x32xf32, #tpu.memory_space<vmem>>
        %dma_wait3A_209 = arith.constant 0 : i32
        %dma_wait3A_210 = arith.constant 0 : i32
        %dma_wait3A_211 = tpu.memref_slice %arg6[%dma_wait3A_209, %dma_wait3A_210] : memref<819200x32xf32, #tpu.memory_space<hbm>> -> memref<128x32xf32, #tpu.memory_space<hbm>>
        %dma_wait3A_212 = arith.constant 0 : i32
        %dma_wait3A_213 = arith.constant 0 : i32
        %dma_wait3A_214 = tpu.memref_slice %arg6[%dma_wait3A_212, %dma_wait3A_213] : memref<819200x32xf32, #tpu.memory_space<hbm>> -> memref<128x32xf32, #tpu.memory_space<hbm>>
        %dma_wait3A_215 = arith.constant 0 : i32
        %dma_wait3A_216 = arith.constant 0 : i32
        %dma_wait3A_217 = tpu.memref_slice %arg11[%dma_wait3A_204, %dma_wait3A_215, %dma_wait3A_216] : memref<2x128x32xf32, #tpu.memory_space<vmem>> -> memref<1x128x32xf32, #tpu.memory_space<vmem>>
        %dma_wait3A_218 = tpu.memref_squeeze %dma_wait3A_217 : memref<1x128x32xf32, #tpu.memory_space<vmem>> -> memref<128x32xf32, #tpu.memory_space<vmem>>
        tpu.wait_dma2 semaphore(%arg15 : memref<!tpu.dma_semaphore, #tpu.memory_space<semaphore_mem>>) src(%dma_wait3A_218 : memref<128x32xf32, #tpu.memory_space<vmem>>) dst(%dma_wait3A_214 : memref<128x32xf32, #tpu.memory_space<hbm>>)
      } else {
      }
      %parallel_loop3A_181 = arith.constant 0 : i32
      %parallel_loop3A_182 = arith.constant 256 : i32
      %parallel_loop3A_183 = arith.constant 1 : i32
      %parallel_loop3A_184 = arith.constant 1 : i32
      %parallel_loop3A_185 = arith.constant 1 : i32
      %parallel_loop3A_186 = arith.constant 1 : i32
      scf.for %parallel_loop3A_204 = %parallel_loop3A_181 to %parallel_loop3A_182 step %parallel_loop3A_183  : i32 {
        %parallel_loop3A_205 = arith.constant 5 : i32
        %parallel_loop3A_206 = arith.shrsi %parallel_loop3A_204, %parallel_loop3A_205 : i32
        %parallel_loop3A_207 = arith.constant 31 : i32
        %parallel_loop3A_208 = arith.andi %parallel_loop3A_204, %parallel_loop3A_207 : i32
        %parallel_loop3A_209 = tpu.iota {dimensions = array<i32: 0>} : vector<16xi32>
        %parallel_loop3A_210 = arith.constant 16 : i32
        %parallel_loop3A_211 = arith.muli %parallel_loop3A_206, %parallel_loop3A_210 : i32
        %parallel_loop3A_212 = vector.broadcast %parallel_loop3A_211 : i32 to vector<16xi32>
        %parallel_loop3A_213 = arith.addi %parallel_loop3A_209, %parallel_loop3A_212 : vector<16xi32>
        %parallel_loop3A_214 = arith.constant 128 : i32
        %parallel_loop3A_215 = arith.muli %add3A_141, %parallel_loop3A_214 : i32
        %parallel_loop3A_216 = arith.constant 16 : i32
        %parallel_loop3A_217 = arith.muli %parallel_loop3A_206, %parallel_loop3A_216 : i32
        %parallel_loop3A_218 = arith.addi %parallel_loop3A_215, %parallel_loop3A_217 : i32
        %parallel_loop3A_219 = tpu.assume_multiple %parallel_loop3A_218, 16 : i32
        %parallel_loop3A_220 = arith.index_cast %parallel_loop3A_219 : i32 to index
        %parallel_loop3A_221 = tpu.vector_load %arg8[%parallel_loop3A_220] {strides = array<i32>} : memref<25600xf32, #tpu.memory_space<vmem>>, vector<16xf32>,
        %parallel_loop3A_222 = vector.broadcast %parallel_loop3A_208 : i32 to vector<16xi32>
        %parallel_loop3A_223 = arith.addi %parallel_loop3A_209, %parallel_loop3A_222 : vector<16xi32>
        %parallel_loop3A_224 = arith.constant 31 : i32
        %parallel_loop3A_225 = vector.broadcast %parallel_loop3A_224 : i32 to vector<16xi32>
        %parallel_loop3A_226 = arith.andi %parallel_loop3A_223, %parallel_loop3A_225 : vector<16xi32>
        %parallel_loop3A_227 = arith.constant 0 : i32
        %parallel_loop3A_228 = arith.constant 0 : i32
        %parallel_loop3A_229 = tpu.memref_slice %arg9[%parallel_loop3A_184, %parallel_loop3A_227, %parallel_loop3A_228] : memref<2x128x32xf32, #tpu.memory_space<vmem>> -> memref<1x128x32xf32, #tpu.memory_space<vmem>>
        %parallel_loop3A_230 = tpu.memref_squeeze %parallel_loop3A_229 : memref<1x128x32xf32, #tpu.memory_space<vmem>> -> memref<128x32xf32, #tpu.memory_space<vmem>>
        %parallel_loop3A_231 = tpu.vector_load_idx %parallel_loop3A_230[%parallel_loop3A_213, %parallel_loop3A_226] : memref<128x32xf32, #tpu.memory_space<vmem>>[vector<16xi32>, vector<16xi32>], vector<16xf32>,
        %parallel_loop3A_232 = arith.constant 0 : i32
        %parallel_loop3A_233 = arith.constant 0 : i32
        %parallel_loop3A_234 = tpu.memref_slice %arg10[%parallel_loop3A_185, %parallel_loop3A_232, %parallel_loop3A_233] : memref<2x128x32xf32, #tpu.memory_space<vmem>> -> memref<1x128x32xf32, #tpu.memory_space<vmem>>
        %parallel_loop3A_235 = tpu.memref_squeeze %parallel_loop3A_234 : memref<1x128x32xf32, #tpu.memory_space<vmem>> -> memref<128x32xf32, #tpu.memory_space<vmem>>
        %parallel_loop3A_236 = tpu.vector_load_idx %parallel_loop3A_235[%parallel_loop3A_213, %parallel_loop3A_226] : memref<128x32xf32, #tpu.memory_space<vmem>>[vector<16xi32>, vector<16xi32>], vector<16xf32>,
        %parallel_loop3A_237 = arith.mulf %parallel_loop3A_221, %parallel_loop3A_231 : vector<16xf32>
        %parallel_loop3A_238 = arith.addf %parallel_loop3A_237, %parallel_loop3A_236 : vector<16xf32>
        %parallel_loop3A_239 = arith.constant 31 : i32
        %parallel_loop3A_240 = vector.broadcast %parallel_loop3A_239 : i32 to vector<16xi32>
        %parallel_loop3A_241 = arith.cmpi slt, %parallel_loop3A_226, %parallel_loop3A_240 : vector<16xi32>
        %parallel_loop3A_242 = arith.constant 0.318309873 : f32
        %parallel_loop3A_243 = vector.broadcast %parallel_loop3A_242 : f32 to vector<16xf32>
        %parallel_loop3A_244 = arith.mulf %parallel_loop3A_238, %parallel_loop3A_243 : vector<16xf32>
        %parallel_loop3A_245 = arith.constant 0x4B400000 : f32
        %parallel_loop3A_246 = vector.broadcast %parallel_loop3A_245 : f32 to vector<16xf32>
        %parallel_loop3A_247 = arith.addf %parallel_loop3A_244, %parallel_loop3A_246 : vector<16xf32>
        %parallel_loop3A_248 = arith.constant 0x4B400000 : f32
        %parallel_loop3A_249 = vector.broadcast %parallel_loop3A_248 : f32 to vector<16xf32>
        %parallel_loop3A_250 = arith.subf %parallel_loop3A_247, %parallel_loop3A_249 : vector<16xf32>
        %parallel_loop3A_251 = arith.constant 3.14159274 : f32
        %parallel_loop3A_252 = vector.broadcast %parallel_loop3A_251 : f32 to vector<16xf32>
        %parallel_loop3A_253 = arith.mulf %parallel_loop3A_250, %parallel_loop3A_252 : vector<16xf32>
        %parallel_loop3A_254 = arith.subf %parallel_loop3A_238, %parallel_loop3A_253 : vector<16xf32>
        %parallel_loop3A_255 = arith.mulf %parallel_loop3A_254, %parallel_loop3A_254 : vector<16xf32>
        %parallel_loop3A_256 = arith.constant 2.75573188E-6 : f32
        %parallel_loop3A_257 = vector.broadcast %parallel_loop3A_256 : f32 to vector<16xf32>
        %parallel_loop3A_258 = arith.mulf %parallel_loop3A_257, %parallel_loop3A_255 : vector<16xf32>
        %parallel_loop3A_259 = arith.constant -1.98412701E-4 : f32
        %parallel_loop3A_260 = vector.broadcast %parallel_loop3A_259 : f32 to vector<16xf32>
        %parallel_loop3A_261 = arith.addf %parallel_loop3A_258, %parallel_loop3A_260 : vector<16xf32>
        %parallel_loop3A_262 = arith.mulf %parallel_loop3A_261, %parallel_loop3A_255 : vector<16xf32>
        %parallel_loop3A_263 = arith.constant 0.00833333377 : f32
        %parallel_loop3A_264 = vector.broadcast %parallel_loop3A_263 : f32 to vector<16xf32>
        %parallel_loop3A_265 = arith.addf %parallel_loop3A_262, %parallel_loop3A_264 : vector<16xf32>
        %parallel_loop3A_266 = arith.mulf %parallel_loop3A_265, %parallel_loop3A_255 : vector<16xf32>
        %parallel_loop3A_267 = arith.constant -0.166666672 : f32
        %parallel_loop3A_268 = vector.broadcast %parallel_loop3A_267 : f32 to vector<16xf32>
        %parallel_loop3A_269 = arith.addf %parallel_loop3A_266, %parallel_loop3A_268 : vector<16xf32>
        %parallel_loop3A_270 = arith.mulf %parallel_loop3A_269, %parallel_loop3A_255 : vector<16xf32>
        %parallel_loop3A_271 = arith.constant 1.000000e+00 : f32
        %parallel_loop3A_272 = vector.broadcast %parallel_loop3A_271 : f32 to vector<16xf32>
        %parallel_loop3A_273 = arith.addf %parallel_loop3A_270, %parallel_loop3A_272 : vector<16xf32>
        %parallel_loop3A_274 = arith.mulf %parallel_loop3A_254, %parallel_loop3A_273 : vector<16xf32>
        %parallel_loop3A_275 = vector.bitcast %parallel_loop3A_247 : vector<16xf32> to vector<16xi32>
        %parallel_loop3A_276 = arith.constant 1 : i32
        %parallel_loop3A_277 = vector.broadcast %parallel_loop3A_276 : i32 to vector<16xi32>
        %parallel_loop3A_278 = arith.andi %parallel_loop3A_275, %parallel_loop3A_277 : vector<16xi32>
        %parallel_loop3A_279 = arith.constant 31 : i32
        %parallel_loop3A_280 = vector.broadcast %parallel_loop3A_279 : i32 to vector<16xi32>
        %parallel_loop3A_281 = arith.shli %parallel_loop3A_278, %parallel_loop3A_280 : vector<16xi32>
        %parallel_loop3A_282 = vector.bitcast %parallel_loop3A_274 : vector<16xf32> to vector<16xi32>
        %parallel_loop3A_283 = arith.xori %parallel_loop3A_282, %parallel_loop3A_281 : vector<16xi32>
        %parallel_loop3A_284 = vector.bitcast %parallel_loop3A_283 : vector<16xi32> to vector<16xf32>
        %parallel_loop3A_285 = arith.select %parallel_loop3A_241, %parallel_loop3A_284, %parallel_loop3A_238 : vector<16xi1>, vector<16xf32>
        %parallel_loop3A_286 = arith.constant 0 : i32
        %parallel_loop3A_287 = arith.constant 0 : i32
        %parallel_loop3A_288 = tpu.memref_slice %arg11[%parallel_loop3A_186, %parallel_loop3A_286, %parallel_loop3A_287] : memref<2x128x32xf32, #tpu.memory_space<vmem>> -> memref<1x128x32xf32, #tpu.memory_space<vmem>>
        %parallel_loop3A_289 = tpu.memref_squeeze %parallel_loop3A_288 : memref<1x128x32xf32, #tpu.memory_space<vmem>> -> memref<128x32xf32, #tpu.memory_space<vmem>>
        tpu.vector_store_idx %parallel_loop3A_289[%parallel_loop3A_213, %parallel_loop3A_226], %parallel_loop3A_285 : memref<128x32xf32, #tpu.memory_space<vmem>>[vector<16xi32>, vector<16xi32>], vector<16xf32>,
      } {sc.loop_unroll_factor = 4 : i64, sc.parallel_access}
      %mul3A_187 = arith.constant 128 : i32
      %mul3A_188 = arith.muli %add3A_141, %mul3A_187 : i32
      %add3A_189 = arith.addi %mul3A_2, %mul3A_188 : i32
      %dma_start3A_190 = arith.constant 1 : i32
      %dma_start3A_191 = arith.constant 0 : i32
      %dma_start3A_192 = arith.constant 0 : i32
      %dma_start3A_193 = tpu.memref_slice %arg11[%dma_start3A_190, %dma_start3A_191, %dma_start3A_192] : memref<2x128x32xf32, #tpu.memory_space<vmem>> -> memref<1x128x32xf32, #tpu.memory_space<vmem>>
      %dma_start3A_194 = tpu.memref_squeeze %dma_start3A_193 : memref<1x128x32xf32, #tpu.memory_space<vmem>> -> memref<128x32xf32, #tpu.memory_space<vmem>>
      %dma_start3A_195 = arith.constant 0 : i32
      %dma_start3A_196 = tpu.memref_slice %arg6[%add3A_189, %dma_start3A_195] : memref<819200x32xf32, #tpu.memory_space<hbm>> -> memref<128x32xf32, #tpu.memory_space<hbm>>
      %dma_start3A_197 = arith.constant 0 : i32
      %dma_start3A_198 = tpu.memref_slice %arg6[%add3A_189, %dma_start3A_197] : memref<819200x32xf32, #tpu.memory_space<hbm>> -> memref<128x32xf32, #tpu.memory_space<hbm>>
      %dma_start3A_199 = arith.constant 0 : i32
      %dma_start3A_200 = arith.constant 0 : i32
      %dma_start3A_201 = tpu.memref_slice %arg11[%dma_start3A_190, %dma_start3A_199, %dma_start3A_200] : memref<2x128x32xf32, #tpu.memory_space<vmem>> -> memref<1x128x32xf32, #tpu.memory_space<vmem>>
      %dma_start3A_202 = tpu.memref_squeeze %dma_start3A_201 : memref<1x128x32xf32, #tpu.memory_space<vmem>> -> memref<128x32xf32, #tpu.memory_space<vmem>>
      tpu.enqueue_dma source(%dma_start3A_202 : memref<128x32xf32, #tpu.memory_space<vmem>>) target(%dma_start3A_198 : memref<128x32xf32, #tpu.memory_space<hbm>>) target_semaphore(%arg15 : memref<!tpu.dma_semaphore, #tpu.memory_space<semaphore_mem>>)
      %scan3A_203 = arith.constant 0 : i32
      scf.yield %scan3A_203 : i32
    }
    %scan3A_27 = arith.constant 100 : i32
    %dma_wait3A = arith.constant 0 : i32
    %dma_wait3A_28 = arith.constant 0 : i32
    %dma_wait3A_29 = arith.constant 0 : i32
    %dma_wait3A_30 = tpu.memref_slice %arg11[%dma_wait3A, %dma_wait3A_28, %dma_wait3A_29] : memref<2x128x32xf32, #tpu.memory_space<vmem>> -> memref<1x128x32xf32, #tpu.memory_space<vmem>>
    %dma_wait3A_31 = tpu.memref_squeeze %dma_wait3A_30 : memref<1x128x32xf32, #tpu.memory_space<vmem>> -> memref<128x32xf32, #tpu.memory_space<vmem>>
    %dma_wait3A_32 = arith.constant 0 : i32
    %dma_wait3A_33 = arith.constant 0 : i32
    %dma_wait3A_34 = tpu.memref_slice %arg6[%dma_wait3A_32, %dma_wait3A_33] : memref<819200x32xf32, #tpu.memory_space<hbm>> -> memref<128x32xf32, #tpu.memory_space<hbm>>
    %dma_wait3A_35 = arith.constant 0 : i32
    %dma_wait3A_36 = arith.constant 0 : i32
    %dma_wait3A_37 = tpu.memref_slice %arg6[%dma_wait3A_35, %dma_wait3A_36] : memref<819200x32xf32, #tpu.memory_space<hbm>> -> memref<128x32xf32, #tpu.memory_space<hbm>>
    %dma_wait3A_38 = arith.constant 0 : i32
    %dma_wait3A_39 = arith.constant 0 : i32
    %dma_wait3A_40 = tpu.memref_slice %arg11[%dma_wait3A, %dma_wait3A_38, %dma_wait3A_39] : memref<2x128x32xf32, #tpu.memory_space<vmem>> -> memref<1x128x32xf32, #tpu.memory_space<vmem>>
    %dma_wait3A_41 = tpu.memref_squeeze %dma_wait3A_40 : memref<1x128x32xf32, #tpu.memory_space<vmem>> -> memref<128x32xf32, #tpu.memory_space<vmem>>
    tpu.wait_dma2 semaphore(%arg14 : memref<!tpu.dma_semaphore, #tpu.memory_space<semaphore_mem>>) src(%dma_wait3A_41 : memref<128x32xf32, #tpu.memory_space<vmem>>) dst(%dma_wait3A_37 : memref<128x32xf32, #tpu.memory_space<hbm>>)
    %dma_wait3A_42 = arith.constant 1 : i32
    %dma_wait3A_43 = arith.constant 0 : i32
    %dma_wait3A_44 = arith.constant 0 : i32
    %dma_wait3A_45 = tpu.memref_slice %arg11[%dma_wait3A_42, %dma_wait3A_43, %dma_wait3A_44] : memref<2x128x32xf32, #tpu.memory_space<vmem>> -> memref<1x128x32xf32, #tpu.memory_space<vmem>>
    %dma_wait3A_46 = tpu.memref_squeeze %dma_wait3A_45 : memref<1x128x32xf32, #tpu.memory_space<vmem>> -> memref<128x32xf32, #tpu.memory_space<vmem>>
    %dma_wait3A_47 = arith.constant 0 : i32
    %dma_wait3A_48 = arith.constant 0 : i32
    %dma_wait3A_49 = tpu.memref_slice %arg6[%dma_wait3A_47, %dma_wait3A_48] : memref<819200x32xf32, #tpu.memory_space<hbm>> -> memref<128x32xf32, #tpu.memory_space<hbm>>
    %dma_wait3A_50 = arith.constant 0 : i32
    %dma_wait3A_51 = arith.constant 0 : i32
    %dma_wait3A_52 = tpu.memref_slice %arg6[%dma_wait3A_50, %dma_wait3A_51] : memref<819200x32xf32, #tpu.memory_space<hbm>> -> memref<128x32xf32, #tpu.memory_space<hbm>>
    %dma_wait3A_53 = arith.constant 0 : i32
    %dma_wait3A_54 = arith.constant 0 : i32
    %dma_wait3A_55 = tpu.memref_slice %arg11[%dma_wait3A_42, %dma_wait3A_53, %dma_wait3A_54] : memref<2x128x32xf32, #tpu.memory_space<vmem>> -> memref<1x128x32xf32, #tpu.memory_space<vmem>>
    %dma_wait3A_56 = tpu.memref_squeeze %dma_wait3A_55 : memref<1x128x32xf32, #tpu.memory_space<vmem>> -> memref<128x32xf32, #tpu.memory_space<vmem>>
    tpu.wait_dma2 semaphore(%arg15 : memref<!tpu.dma_semaphore, #tpu.memory_space<semaphore_mem>>) src(%dma_wait3A_56 : memref<128x32xf32, #tpu.memory_space<vmem>>) dst(%dma_wait3A_52 : memref<128x32xf32, #tpu.memory_space<hbm>>)
    return
  }
}

</mosaic_0001>

<sc_bundles>
// kernel: kernel.3.cloned.1.call-start
scs
__scs_entry_jumppad:
0x0: {  	(pc) =	sbr.rel $0x88, $3  }
0x1: {  	(tag) =	ssettag $0x0;
	lr =	simm.s32 $0x1  }
0x2: {  	[smem:$0x3F9B] =	sst lr;
	_ =	strace $0xD0000000  }
0x3: {  	_ = 	snop  }
0x4: {  	_ = 	snop  }
0x5: {  	_ = 	snop  }
0x6: {  	_ = 	snop  }
0x7: {  	_ = 	snop  }
__scs_overlays_trampoline_lowered:
0x8: {  	[smem:$0x3FAA] =	sst s0  }
0x9: {  	[smem:$0x3FAB] =	sst s1  }
0xa: {  	[smem:$0x3FAC] =	sst s2  }
0xb: {  	[smem:$0x3FAD] =	sst s3  }
0xc: {  	[smem:$0x3FAE] =	sst s4  }
0xd: {  	[smem:$0x3FAF] =	sst s5  }
0xe: {  	[smem:$0x3FB0] =	sst s6  }
0xf: {  	[smem:$0x3FB1] =	sst s7  }
0x10: {  	[smem:$0x3FB2] =	sst s8  }
0x11: {  	[smem:$0x3FB3] =	sst s9;
	s0 =	simm.s32 @!p0 $0x0  }
0x12: {  	s1 =	sld [smem:$0x3F99];
	s0 =	simm.s32 @p0 $0x1  }
0x13: {  	[smem:$0x3FB4] =	sst s0;
	s0 =	simm.s32 @!p1 $0x0  }
0x14: {  	s2 =	sld [smem:$0x3F98];
	s0 =	simm.s32 @p1 $0x1  }
0x15: {  	[smem:$0x3FB5] =	sst s0;
	s0 =	simm.s32 @!p2 $0x0  }
0x16: {  	s3 =	sld [smem:$0x3FDB];
	s0 =	simm.s32 @p2 $0x1  }
0x17: {  	s4 =	simm.s32 $0x1BF5;
	[smem:$0x3FB7] =	sst s0  }
0x18: {  	s0 =	sld [smem:$0x3F9A];
	_ =	swait.ge [sflag:s4], $0x0  }
0x19: {  	s7 =	sld [smem:$0x3F9B]  }
0x1a: {  	s8 =	sadd.s32 $0xFFFFE003, lr  }
0x1b: {  	s9 =	sadd.s32 $0xFFFFFEF7, lr;
	s5 =	simm.s32 $0xFFFFFFFF;
	p2 =	slt.u32 s8, $0xFFFFF086  }
0x1c: {  	p1 =	slt.u32 s9, $0xF7A;
	s5 =	simm.s32 @!p2 $0x0  }
0x1d: {  	s5 =	simm.s32 @p1 $0x1;
	p0 =	seq.s32 s7, s2  }
0x1e: {  	s7 =	smul.u32 @!p0 $0xF7A, s2;
	p2 =	seq.s32 @!p0 s5, $0x0  }
0x1f: {  	s9 =	smul.u32 $0xF7A, s1;
	s8 =	simm.s32 @!p0 $0x1BF5;
	p2 =	por !p2, p0  }
0x20: {  	[sflag:s8] =	ssyncset.s32 @!p0 $0xFFFFF086;
	s6 =	sadd.s32 @!p0 s3, s7;
	s7 =	simm.s32 @!p0 $0x108  }
0x21: {  	s3 =	sadd.s32 s3, s9;
	s6 =	sadd.s32 @!p0 $0x88, s6;
	s7 =	simm.s32 @p2 $0x1082  }
0x22: {  	[simem:s7], [sflag:s8] =	dma.local @!p0 [hbm:s6], $0xF7A  }
0x23: {  	s9 =	sor.u32 $0xD0000000, s2;
	s6 =	simm.s32 $0x108;
	_ =	swait.ge @!p0 [sflag:s8], $0x0  }
0x24: {  	s3 =	sadd.s32 $0x88, s3;
	s6 =	simm.s32 @!p1 $0x1082;
	[sflag:s4] =	ssyncset.s32 $0xFFFFF086  }
0x25: {  	[simem:s6], [sflag:s4] =	dma.local [hbm:s3], $0xF7A  }
0x26: {  	[smem:$0x3F9B] =	sst s1;
	(tag) =	ssettag s2;
	_ =	strace s9  }
0x27: {  	s1 =	sld [smem:$0x3FAB]  }
0x28: {  	s2 =	sld [smem:$0x3FAC]  }
0x29: {  	s4 =	sld [smem:$0x3FAE]  }
0x2a: {  	p0 =	seq.s32 s5, $0x0;
	s5 =	sld [smem:$0x3FAF]  }
0x2b: {  	s6 =	sld [smem:$0x3FB0]  }
0x2c: {  	s7 =	sld [smem:$0x3FB1]  }
0x2d: {  	s3 =	simm.s32 $0x108;
	s8 =	sld [smem:$0x3FB2]  }
0x2e: {  	s3 =	simm.s32 @!p0 $0x1082;
	s9 =	sld [smem:$0x3FB3]  }
0x2f: {  	lr =	sadd.s32 s0, s3;
	s0 =	sld [smem:$0x3FAA]  }
0x30: {  	s3 =	sld [smem:$0x3FAD]  }
0x31: {  	[smem:$0x3FB6] =	sst s10  }
0x32: {  	s10 =	sld [smem:$0x3FB4];
	_ =	sdelay $0x3  }
0x33: {  	p0 =	seq.s32 s10, $0x1;
	s10 =	sld [smem:$0x3FB6];
	_ =	sdelay $0x3  }
0x34: {  	[smem:$0x3FB6] =	sst s10  }
0x35: {  	s10 =	sld [smem:$0x3FB5];
	_ =	sdelay $0x3  }
0x36: {  	p1 =	seq.s32 s10, $0x1;
	s10 =	sld [smem:$0x3FB6];
	_ =	sdelay $0x3  }
0x37: {  	[smem:$0x3FB6] =	sst s10  }
0x38: {  	s10 =	sld [smem:$0x3FB7]  }
0x39: {  	_ = 	snop;
	(pc) =	sbr.ind lr, $3  }
0x3a: {  	_ = 	snop  }
0x3b: {  	_ = 	snop  }
0x3c: {  	p2 =	seq.s32 s10, $0x1;
	s10 =	sld [smem:$0x3FB6]  }
0x3d: {  	_ =	shalt  }
0x3e: {  	_ =	shalt  }
0x3f: {  	_ =	shalt  }
0x40: {  	_ =	shalt  }
0x41: {  	_ =	shalt  }
0x42: {  	_ =	shalt  }
0x43: {  	_ =	shalt  }
0x44: {  	_ =	shalt  }
0x45: {  	_ =	shalt  }
0x46: {  	_ =	shalt  }
0x47: {  	_ =	shalt  }
0x48: {  	_ =	shalt  }
0x49: {  	_ =	shalt  }
0x4a: {  	_ =	shalt  }
0x4b: {  	_ =	shalt  }
0x4c: {  	_ =	shalt  }
0x4d: {  	_ =	shalt  }
0x4e: {  	_ =	shalt  }
0x4f: {  	_ =	shalt  }
0x50: {  	_ =	shalt  }
0x51: {  	_ =	shalt  }
0x52: {  	_ =	shalt  }
0x53: {  	_ =	shalt  }
0x54: {  	_ =	shalt  }
0x55: {  	_ =	shalt  }
0x56: {  	_ =	shalt  }
0x57: {  	_ =	shalt  }
0x58: {  	_ =	shalt  }
0x59: {  	_ =	shalt  }
0x5a: {  	_ =	shalt  }
0x5b: {  	_ =	shalt  }
0x5c: {  	_ =	shalt  }
0x5d: {  	_ =	shalt  }
0x5e: {  	_ =	shalt  }
0x5f: {  	_ =	shalt  }
0x60: {  	_ =	shalt  }
0x61: {  	_ =	shalt  }
0x62: {  	_ =	shalt  }
0x63: {  	_ =	shalt  }
0x64: {  	_ =	shalt  }
0x65: {  	_ =	shalt  }
0x66: {  	_ =	shalt  }
0x67: {  	_ =	shalt  }
0x68: {  	_ =	shalt  }
0x69: {  	_ =	shalt  }
0x6a: {  	_ =	shalt  }
0x6b: {  	_ =	shalt  }
0x6c: {  	_ =	shalt  }
0x6d: {  	_ =	shalt  }
0x6e: {  	_ =	shalt  }
0x6f: {  	_ =	shalt  }
0x70: {  	_ =	shalt  }
0x71: {  	_ =	shalt  }
0x72: {  	_ =	shalt  }
0x73: {  	_ =	shalt  }
0x74: {  	_ =	shalt  }
0x75: {  	_ =	shalt  }
0x76: {  	_ =	shalt  }
0x77: {  	_ =	shalt  }
0x78: {  	_ =	shalt  }
0x79: {  	_ =	shalt  }
0x7a: {  	_ =	shalt  }
0x7b: {  	_ =	shalt  }
0x7c: {  	_ =	shalt  }
0x7d: {  	_ =	shalt  }
0x7e: {  	_ =	shalt  }
0x7f: {  	_ =	shalt  }
0x80: {  	_ =	shalt  }
0x81: {  	_ =	shalt  }
0x82: {  	_ =	shalt  }
0x83: {  	_ =	shalt  }
0x84: {  	_ =	shalt  }
0x85: {  	_ =	shalt  }
0x86: {  	_ =	shalt  }
0x87: {  	_ =	shalt  }
.Lfunc_end0:
.L_simem_size_0:
called_computation.3_lowered:
.L_overlay_start_0:
0x88: {  	s2 =	sld [smem:$0x3FD9]  }
0x89: {  	s3 =	sld [smem:$0x3FFE];
	_ =	sdelay $0x1  }
0x8a: {  	s1 =	srdreg.scid  }
0x8b: {  	s0 =	sand.u32 $0x1, s1  }
0x8c: {  	s17 =	sshll.u32 s0, $0xA;
	s2 =	sadd.s32 s3, s2  }
0x8d: {  	s2 =	sadd.s32 s2, s17  }
0x8e: {  	[smem:$0x3FC2] =	sst s2  }
0x8f: {  	_ = 	snop  }
0x90: {  	s2 =	sld [smem:$0x3FC9]  }
0x91: {  	s18 =	sld [smem:$0x3FC8]  }
0x92: {  	s4 =	sld [smem:$0x3FD0];
	(tm) =	ssettm $0x1  }
0x93: {  	s5 =	sld [smem:$0x3FFB];
	_ =	sdelay $0x3  }
0x94: {  	_ =	strace s5  }
0x95: {  	s5 =	sld [smem:$0x3FFC];
	_ =	sdelay $0x3  }
0x96: {  	_ =	strace s5  }
0x97: {  	s5 =	sld [smem:$0x3FFD];
	_ =	sdelay $0x3  }
0x98: {  	_ =	strace s5  }
0x99: {  	_ =	strace $0x8FFFFFFF  }
0x9a: {  	s19 =	sld [smem:$0x3FDB];
	_ =	sdelay $0x1  }
0x9b: {  	s6 =	simm.s32 $_scs_section_size  }
0x9c: {  	s7 =	simm.s32 $_size__tile_overlayer_lowered;
	s8 =	simm.s32 $_tile_overlayer_lowered  }
0x9d: {  	s22 =	simm.s32 $0x1BFF;
	s21 =	sshll.u32 s8, $0x1;
	s5 =	sadd.s32 s6, s19  }
0x9e: {  	s9 =	simm.s32 $0x0;
	s20 =	sshll.u32 s7, $0x1;
	s7 =	sadd.s32 s21, s5  }
0x9f: {  	[timem:s9], [sflag:s22] =	dma.local [hbm:s7], s20  }
0xa0: {  	_ =	swait.ge [sflag:s22], s20  }
0xa1: {  	s6 =	ssub.s32 $0x0, s20;
	[sflag:s22] =	ssyncset.done $0x0  }
0xa2: {  	[sflag:s22] =	ssyncadd.s32 s6;
	_ =	sdelay $0x1  }
0xa3: {  	s23 =	simm.s32 $0x1B8B  }
0xa4: {  	_ =	swait.ge [sflag:s23], $0x1  }
0xa5: {  	[sflag:s23] =	ssyncset.done $0x0  }
0xa6: {  	s25 =	simm.s32 $0x1B8E;
	s24 =	sld [smem:$0x3FFE];
	[sflag:s23] =	ssyncadd.s32 $0xFFFFFFFF  }
0xa7: {  	s26 =	simm.s32 $execute0_lowered;
	[smem:$0x3FD2] =	sst s25  }
0xa8: {  	s7 =	sshll.u32 s26, $0x1;
	_ =	strace $0x8000004C;
	[dreg:$0x1] =	wrdreg $0xFFFFFFFF  }
0xa9: {  	s28 =	simm.s32 $_size_execute0_lowered;
	s5 =	sadd.s32 s5, s7;
	[dreg:$0x0] =	wrdreg $0x0  }
0xaa: {  	s7 =	sshll.u32 s28, $0x1;
	[dreg:$0x2] =	wrdreg s5  }
0xab: {  	[dreg:$0x3] =	wrdreg s7  }
0xac: {  	[dreg:$0x4] =	wrdreg $0xC0  }
0xad: {  	_ =	task [dreg:s9], $0x5FFFF  }
0xae: {  	[dreg:$0x1] =	wrdreg $0xFFFFFFFF  }
0xaf: {  	[dreg:$0x0] =	wrdreg $0x60  }
0xb0: {  	[dreg:$0x2] =	wrdreg s2  }
0xb1: {  	[dreg:$0x3] =	wrdreg s18  }
0xb2: {  	[dreg:$0x4] =	wrdreg s24  }
0xb3: {  	[dreg:$0x5] =	wrdreg s4  }
0xb4: {  	[dreg:$0x6] =	wrdreg $0x9  }
0xb5: {  	_ =	task.clear_ibuf [dreg:s9], $0x7FFFF;
	_ =	strace $0x9000004C  }
0xb6: {  	s29 =	simm.s32 $0x9;
	_ =	strace $0x8000004E  }
0xb7: {  	_ =	swait.ge [sflag:s29], $0x1  }
0xb8: {  	[sflag:s29] =	ssyncadd.s32 $0xFFFFFFFF  }
0xb9: {  	_ =	strace $0x9000004E  }
0xba: {  	_ =	sfence  }
0xbb: {  	s30 =	sld [smem:$0x0];
	_ =	sdelay $0x2  }
0xbc: {  	s31 =	sshll.u32 s1, $0xD;
	s1 =	sshrl.u32 s1, $0x2  }
0xbd: {  	s3 =	sand.u32 $0x4000, s31;
	s1 =	sadd.s32 s1, s30  }
0xbe: {  	s0 =	sor.u32 s3, s0;
	s1 =	sshll.u32 s1, $0x11  }
0xbf: {  	s0 =	sor.u32 s1, s0  }
0xc0: {  	s0 =	sadd.s32 $0x8F2B, s0  }
0xc1: {  	[sflag:s0] =	ssyncadd.remote.s32 $0x1  }
0xc2: {  	_ =	sfence.sel $0xFFFF  }
0xc3: {  	[dreg:$0x0] =	wrdreg $0xFFFFFFFF;
	(pc) =	sbr.abs _section_cstart, $3  }
0xc4: {  	[dreg:$0x1] =	wrdreg $0xFFFFFFFF  }
0xc5: {  	_ =	task.clear_ibuf [dreg:s9], $0x2FFFF;
	_ =	strace $0x9FFFFFFF  }
0xc6: {  	(tm) =	ssettm $0x7FFFFFFF  }
0xc7: {  	_ =	shalt  }
tec
execute0_lowered:
.L_overlay_start_1:
0x0: {  	(tag) =	ssettag $0x1  }
0x1: {  	s7 =	rddreg [dreg:$0x0]  }
0x2: {  	s8 =	rddreg [dreg:$0x1]  }
0x3: {  	s6 =	rddreg [dreg:$0x2];
	s1 =	srdreg.scid  }
0x4: {  	s0 =	stileid.u32;
	s2 =	rddreg [dreg:$0x3];
	s3 =	simm.s32 $0x0  }
0x5: {  	s12 =	simm.s32 $0x6400;
	s13 =	simm.s32 $0x80;
	s14 =	simm.s32 $0xC800  }
0x6: {  	s15 =	simm.s32 $0xE800;
	s16 =	simm.s32 $0xD800;
	s17 =	simm.s32 $0xF800  }
0x7: {  	s18 =	simm.s32 $0x1;
	s19 =	simm.s32 $0x10800;
	s20 =	simm.s32 $0x2  }
0x8: {  	s21 =	simm.s32 $0x11800;
	s22 =	simm.s32 $0x3;
	s23 =	simm.s32 $0x4  }
0x9: {  	s4 =	sand.u32 $0x1, s1;
	s5 =	sshll.u32 s0, $0x1;
	[smem:$0x7FF] =	sst s3  }
0xa: {  	s24 =	simm.s32 $0x0;
	s9 =	sor.u32 s4, s5;
	_ =	strace $0x8000004D  }
0xb: {  	s10 =	ssub.s32 $0x2, s4;
	s5 =	sadd.s32 $0x3D1C00, s6;
	s4 =	smul.u32 $0x6400, s9  }
0xc: {  	s6 =	sadd.s32 $0x1200, s6;
	s11 =	sshrl.u32 s10, $0x1;
	s9 =	smul.u32 $0xC8000, s9  }
0xd: {  	v0 =	vlaneseq.u32;
	s10 =	ssub.s32 s10, s11;
	s11 =	simm.s32 $0x5;
	s31 =	sshrl.u32 s4, $0x3  }
0xe: {  	v1 =	vmul.u32 $0x20, v0;
	s10 =	smax.u32 s10, $0x1;
	s7 =	sadd.s32 s7, s31;
	s8 =	sadd.s32 s8, s31  }
.LBB2_1:
0xf: {  	[tilespmem:s3], [sflag:$0x5] =	stream.linear.gather [hbm4b:s7+s3], $0x6400, $0x38;
	[tilespmem:$0x12800] =	vst v63  }
0x10: {  	_ =	swait.ge [sflag:s11], $0x6400  }
0x11: {  	[sflag:s11] =	ssyncset.done $0x0  }
0x12: {  	[sflag:s11] =	ssyncadd.s32 $0xFFFF9C00  }
0x13: {  	[tilespmem:s12], [sflag:$0x5] =	stream.linear.gather [hbm4b:s8+s3], $0x6400, $0x38;
	[tilespmem:$0x12800] =	vst v63  }
0x14: {  	_ =	swait.ge [sflag:s11], $0x6400  }
0x15: {  	[sflag:s11] =	ssyncset.done $0x0  }
0x16: {  	[sflag:s11] =	ssyncadd.s32 $0xFFFF9C00  }
0x17: {  	[tilespmem:s14], [sflag:$0x1] =	stream.indirect.gather [hbm4b:s5+s13], $0x20, s3, s13, $0xb8;
	[tilespmem:$0x12800] =	vst v63  }
0x18: {  	s25 =	simm.s32 $0x0  }
0x19: {  	[tilespmem:s15], [sflag:$0x1] =	stream.indirect.gather [hbm4b:s6+s13], $0x20, s3, s13, $0xb8;
	[tilespmem:$0x12800] =	vst v63  }
.LBB2_2:
0x1a: {  	s28 =	sshll.u32 s25, $0x8  }
0x1b: {  	s26 =	sor.u32 $0x80, s28  }
0x1c: {  	[tilespmem:s16], [sflag:$0x2] =	stream.indirect.gather [hbm4b:s5+s13], $0x20, s26, s13, $0xb8;
	[tilespmem:$0x12800] =	vst v63  }
0x1d: {  	_ = 	snop  }
0x1e: {  	[tilespmem:s17], [sflag:$0x2] =	stream.indirect.gather [hbm4b:s6+s13], $0x20, s26, s13, $0xb8;
	[tilespmem:$0x12800] =	vst v63  }
0x1f: {  	s29 =	simm.s32 $0x0;
	s30 =	simm.s32 $0x0;
	_ =	swait.ge [sflag:s18], $0x1000  }
0x20: {  	s29 =	sand.u32 $0x70, s29;
	s30 =	sand.u32 $0x1C, s30;
	[sflag:s18] =	ssyncset.done $0x0  }
0x21: {  	s28 =	sadd.s32 $0x6400, s28;
	v2 =	vmov s29;
	s31 =	sor.u32 $0x3, s30;
	[sflag:s18] =	ssyncadd.s32 $0xFFFFF000  }
0x22: {  	v8 =	vmov s28;
	s28 =	sor.u32 $0x2, s30;
	v2 =	vshll.u32 v2, $0x5;
	v3 =	vadd.s32 s31, v0;
	_ =	swait.ge [sflag:s18], $0x1000  }
0x23: {  	p0 =	seq.s32 s25, $0x0;
	v4 =	vadd.s32 s28, v0;
	v5 =	vor.u32 v1, v2;
	v17 =	vand.u32 $0x1F, v3;
	[sflag:s18] =	ssyncset.done $0x0  }
0x24: {  	s28 =	simm.s32 @!p0 $0x3;
	v18 =	vand.u32 $0x1F, v4;
	v2 =	vor.u32 v17, v5;
	[sflag:s18] =	ssyncadd.s32 $0xFFFFF000  }
0x25: {  	s1 =	sor.u32 $0x1, s30;
	v28 =	vor.u32 v18, v5;
	_ =	swait.ge @!p0 [sflag:s28], $0x1000  }
0x26: {  	v3 =	vadd.s32 s1, v0;
	[sflag:s28] =	ssyncset.done @!p0 $0x0  }
0x27: {  	v4 =	vadd.s32 s30, v0;
	v20 =	vand.u32 $0x1F, v3;
	[sflag:s28] =	ssyncadd.s32 @!p0 $0xFFFFF000  }
0x28: {  	v21 =	vand.u32 $0x1F, v4;
	v4 =	vor.u32 v20, v5;
	v6 =	vld.idx.msk [tilespmem:v8+s29+$0x0 ss:$0x1], $0xffff  }
0x29: {  	v3 =	vor.u32 v21, v5;
	v7 =	vld.idx.msk [tilespmem:v2+s14+$0x0], $0xffff  }
0x2a: {  	v5 =	vld.idx.msk [tilespmem:v28+s14+$0x0], $0xffff  }
0x2b: {  	v9 =	vld.idx.msk [tilespmem:v28+s15+$0x0], $0xffff  }
0x2c: {  	v10 =	vld.idx.msk [tilespmem:v2+s15+$0x0], $0xffff  }
0x2d: {  	v11 =	vld.idx.msk [tilespmem:v4+s14+$0x0], $0xffff  }
0x2e: {  	v12 =	vld.idx.msk [tilespmem:v3+s14+$0x0], $0xffff  }
0x2f: {  	v13 =	vld.idx.msk [tilespmem:v4+s15+$0x0], $0xffff;
	v7 =	vmul.f32 v7, v6;
	v5 =	vmul.f32 v5, v6;
	_ =	sdelay $0x1  }
0x30: {  	v7 =	vadd.f32 v10, v7;
	v25 =	vadd.f32 v9, v5;
	v5 =	vld.idx.msk [tilespmem:v3+s15+$0x0], $0xffff  }
0x31: {  	v11 =	vmul.f32 v11, v6  }
0x32: {  	v9 =	vmul.f32 $3.183098730e-01, v7;
	v10 =	vmul.f32 $3.183098730e-01, v25  }
0x33: {  	v6 =	vmul.f32 v12, v6;
	v15 =	vadd.f32 v13, v11  }
0x34: {  	v22 =	vadd.f32 $1.258291200e+07, v9;
	v24 =	vadd.f32 $1.258291200e+07, v10  }
0x35: {  	v9 =	vmul.f32 $3.183098730e-01, v15;
	v13 =	vadd.f32 v5, v6  }
0x36: {  	v5 =	vadd.f32 $-1.258291200e+07, v22;
	v6 =	vadd.f32 $-1.258291200e+07, v24  }
0x37: {  	s28 =	simm.s32 $0x4;
	s29 =	simm.s32 $0x2;
	v29 =	vadd.f32 $1.258291200e+07, v9;
	v10 =	vmul.f32 $3.183098730e-01, v13  }
0x38: {  	s30 =	sand.u32 $0x1C, s28;
	s29 =	sand.u32 $0x70, s29;
	v5 =	vmul.f32 $3.141592740e+00, v5;
	v6 =	vmul.f32 $3.141592740e+00, v6  }
0x39: {  	s1 =	sor.u32 $0x2, s30;
	v9 =	vmov s29;
	v35 =	vadd.f32 $-1.258291200e+07, v29;
	v23 =	vadd.f32 $1.258291200e+07, v10  }
0x3a: {  	s0 =	sor.u32 $0x1, s30;
	v10 =	vadd.s32 s1, v0;
	v31 =	vsub.f32 v7, v5;
	v32 =	vsub.f32 v25, v6  }
0x3b: {  	v6 =	vshll.u32 v9, $0x5;
	v5 =	vadd.s32 s30, v0;
	s30 =	sor.u32 $0x3, s30;
	v9 =	vadd.s32 s0, v0  }
0x3c: {  	v14 =	vand.u32 $0x1F, v10;
	v19 =	vor.u32 v1, v6;
	v6 =	vadd.s32 s30, v0  }
0x3d: {  	v16 =	vand.u32 $0x1F, v9;
	v33 =	vmul.f32 v32, v32;
	v12 =	vand.u32 $0x1F, v6  }
0x3e: {  	v34 =	vmul.f32 v31, v31;
	v6 =	vadd.f32 $-1.258291200e+07, v23;
	v11 =	vor.u32 v14, v19  }
0x3f: {  	v5 =	vand.u32 $0x1F, v5;
	v9 =	vor.u32 v16, v19;
	v26 =	vmul.f32 $2.755731880e-06, v33  }
0x40: {  	v10 =	vor.u32 v12, v19;
	v27 =	vmul.f32 $2.755731880e-06, v34;
	v30 =	vmul.f32 $3.141592740e+00, v6  }
0x41: {  	v6 =	vor.u32 v5, v19;
	v26 =	vadd.f32 $-1.984127010e-04, v26  }
0x42: {  	v36 =	vld.idx.msk [tilespmem:v8+s29+$0x0 ss:$0x1], $0xffff;
	v37 =	vadd.f32 $-1.984127010e-04, v27;
	v19 =	vsub.f32 v13, v30;
	v27 =	vmul.f32 $3.141592740e+00, v35  }
0x43: {  	vm3 =	veq.s32 v18, $0x1F;
	vm0 =	veq.s32 v21, $0x1F;
	vm1 =	veq.s32 v20, $0x1F;
	v21 =	vld.idx.msk [tilespmem:v11+s14+$0x0], $0xffff  }
0x44: {  	v40 =	vld.idx.msk [tilespmem:v9+s14+$0x0], $0xffff;
	v20 =	vmul.f32 v26, v33;
	v26 =	vmul.f32 v19, v19;
	v27 =	vsub.f32 v15, v27  }
0x45: {  	vm2 =	veq.s32 v17, $0x1F;
	v24 =	vshll.u32 v24, $0x1F;
	v50 =	vld.idx.msk [tilespmem:v10+s14+$0x0], $0xffff;
	v30 =	vmul.f32 v37, v34  }
0x46: {  	v17 =	vld.idx.msk [tilespmem:v11+s15+$0x0], $0xffff;
	v18 =	vadd.f32 $8.333333770e-03, v20;
	v20 =	vmul.f32 $2.755731880e-06, v26;
	v38 =	vmul.f32 v27, v27  }
0x47: {  	v29 =	vshll.u32 v29, $0x1F;
	v23 =	vshll.u32 v23, $0x1F;
	v51 =	vld.idx.msk [tilespmem:v10+s15+$0x0], $0xffff;
	v39 =	vadd.f32 $8.333333770e-03, v30  }
0x48: {  	v42 =	vld.idx.msk [tilespmem:v6+s14+$0x0], $0xffff;
	v18 =	vmul.f32 v18, v33;
	v20 =	vadd.f32 $-1.984127010e-04, v20;
	v52 =	vmul.f32 $2.755731880e-06, v38  }
0x49: {  	v41 =	vld.idx.msk [tilespmem:v9+s15+$0x0], $0xffff;
	v30 =	vshll.u32 v22, $0x1F;
	v21 =	vmul.f32 v21, v36;
	v53 =	vmul.f32 v40, v36  }
0x4a: {  	v22 =	vmul.f32 v50, v36;
	v20 =	vmul.f32 v20, v26;
	v35 =	vadd.f32 $-1.984127010e-04, v52  }
0x4b: {  	v18 =	vadd.f32 $-1.666666720e-01, v18;
	v17 =	vadd.f32 v17, v21;
	v21 =	vmul.f32 v39, v34  }
0x4c: {  	v22 =	vadd.f32 v51, v22;
	v54 =	vadd.f32 $8.333333770e-03, v20;
	v20 =	vmul.f32 v35, v38  }
0x4d: {  	v36 =	vmul.f32 v42, v36;
	v18 =	vmul.f32 v18, v33;
	v57 =	vadd.f32 $-1.666666720e-01, v21  }
0x4e: {  	v55 =	vld.idx.msk [tilespmem:v6+s15+$0x0], $0xffff;
	v21 =	vadd.f32 v41, v53;
	v56 =	vmul.f32 $3.183098730e-01, v22;
	v58 =	vadd.f32 $8.333333770e-03, v20  }
0x4f: {  	v59 =	vmul.f32 $3.183098730e-01, v17;
	v18 =	vadd.f32 $1.000000000e+00, v18;
	v34 =	vmul.f32 v57, v34  }
0x50: {  	v60 =	vmul.f32 $3.183098730e-01, v21;
	v20 =	vadd.f32 $1.258291200e+07, v56;
	v33 =	vmul.f32 v58, v38  }
0x51: {  	v32 =	vmul.f32 v18, v32;
	v18 =	vadd.f32 $1.258291200e+07, v59;
	v62 =	vadd.f32 $1.000000000e+00, v34  }
0x52: {  	v37 =	vmul.f32 v54, v26;
	v61 =	vadd.f32 $-1.258291200e+07, v20;
	v33 =	vadd.f32 $-1.666666720e-01, v33  }
0x53: {  	v32 =	vxor.u32 v32, v24;
	v24 =	vadd.f32 v55, v36;
	v63 =	vadd.f32 $-1.258291200e+07, v18  }
0x54: {  	v32 =	vsel vm3, v25, v32;
	v35 =	vmul.f32 $3.141592740e+00, v61;
	v38 =	vmul.f32 v33, v38  }
0x55: {  	v25 =	vadd.f32 $1.258291200e+07, v60;
	v34 =	vmul.f32 $3.183098730e-01, v24;
	v33 =	vmul.f32 v62, v31  }
0x56: {  	s29 =	simm.s32 $0x4;
	[tilespmem:v28+s19+$0x0] =	vst.idx.msk $0xffff, v32;
	v36 =	vmul.f32 $3.141592740e+00, v63;
	v31 =	vadd.f32 $-1.666666720e-01, v37;
	v32 =	vadd.f32 $1.000000000e+00, v38  }
.LBB2_3:
0x57: {  	s28 =	sadd.s32 $0x4, s28;
	s1 =	sand.u32 $0x70, s29;
	v34 =	vadd.f32 $1.258291200e+07, v34;
	v28 =	vsub.f32 v22, v35;
	v30 =	vxor.u32 v33, v30  }
0x58: {  	s30 =	sand.u32 $0x1C, s28;
	v33 =	vmov s1;
	p1 =	slt.u32 s28, $0xFC;
	v35 =	vsub.f32 v17, v36;
	v27 =	vmul.f32 v32, v27  }
0x59: {  	v26 =	vmul.f32 v31, v26;
	v32 =	vshll.u32 v33, $0x5;
	v33 =	vadd.s32 s30, v0;
	s31 =	sor.u32 $0x1, s30;
	s0 =	sor.u32 $0x2, s30;
	s30 =	sor.u32 $0x3, s30  }
0x5a: {  	v31 =	vadd.s32 s31, v0;
	v36 =	vadd.s32 s0, v0;
	v27 =	vxor.u32 v27, v29  }
0x5b: {  	v29 =	vand.u32 $0x1F, v33;
	v32 =	vor.u32 v1, v32;
	v26 =	vadd.f32 $1.000000000e+00, v26  }
0x5c: {  	v37 =	vmul.f32 v35, v35;
	v33 =	vand.u32 $0x1F, v36;
	v36 =	vadd.s32 s30, v0  }
0x5d: {  	v31 =	vand.u32 $0x1F, v31;
	v36 =	vand.u32 $0x1F, v36;
	v19 =	vmul.f32 v26, v19  }
0x5e: {  	v30 =	vsel vm2, v7, v30;
	v7 =	vmovc v22;
	v26 =	vor.u32 v29, v32;
	v38 =	vor.u32 v33, v32  }
0x5f: {  	v39 =	vmul.f32 v28, v28;
	v22 =	vor.u32 v36, v32;
	v19 =	vxor.u32 v19, v23  }
0x60: {  	v15 =	vsel vm1, v15, v27;
	v23 =	vor.u32 v31, v32;
	v32 =	vadd.f32 $-1.258291200e+07, v34;
	[tilespmem:v2+s19+$0x0] =	vst.idx.msk $0xffff, v30  }
0x61: {  	v27 =	vmul.f32 $2.755731880e-06, v37;
	v13 =	vsel vm0, v13, v19;
	v30 =	vmul.f32 $2.755731880e-06, v39;
	v2 =	vmovc v10;
	[tilespmem:v4+s19+$0x0] =	vst.idx.msk $0xffff, v15  }
0x62: {  	v43 =	vmul.f32 $3.141592740e+00, v32;
	v32 =	vadd.f32 $-1.258291200e+07, v25;
	v40 =	vld.idx.msk [tilespmem:v8+s1+$0x0 ss:$0x1], $0xffff;
	[tilespmem:v3+s19+$0x0] =	vst.idx.msk $0xffff, v13;
	v3 =	vmovc v6;
	v6 =	vmov v26  }
0x63: {  	v10 =	vmovc v22;
	v4 =	vmovc v9;
	v9 =	vmov v23;
	v26 =	vadd.f32 $-1.984127010e-04, v27;
	v30 =	vadd.f32 $-1.984127010e-04, v30;
	v41 =	vld.idx.msk [tilespmem:v38+s15+$0x0], $0xffff  }
0x64: {  	v15 =	vmovc v21;
	v19 =	vsub.f32 v24, v43;
	v27 =	vmul.f32 $3.141592740e+00, v32;
	v13 =	vmov v24;
	v42 =	vld.idx.msk [tilespmem:v22+s14+$0x0], $0xffff  }
0x65: {  	vm1 =	veq.s32 v16, $0x1F;
	v16 =	vmovc v31;
	vm0 =	veq.s32 v5, $0x1F;
	v5 =	vmovc v29;
	v24 =	vmul.f32 v26, v37;
	v21 =	vld.idx.msk [tilespmem:v38+s14+$0x0], $0xffff  }
0x66: {  	v26 =	vmul.f32 v19, v19;
	v27 =	vsub.f32 v15, v27;
	v29 =	vmul.f32 v30, v39;
	v22 =	vld.idx.msk [tilespmem:v22+s15+$0x0], $0xffff  }
0x67: {  	vm3 =	veq.s32 v14, $0x1F;
	vm2 =	veq.s32 v12, $0x1F;
	v14 =	vmovc v33;
	v12 =	vmovc v36;
	v24 =	vadd.f32 $8.333333770e-03, v24;
	v31 =	vld.idx.msk [tilespmem:v23+s14+$0x0], $0xffff  }
0x68: {  	v32 =	vmul.f32 $2.755731880e-06, v26;
	v33 =	vmul.f32 v27, v27;
	v36 =	vadd.f32 $8.333333770e-03, v29  }
0x69: {  	v30 =	vshll.u32 v20, $0x1F;
	v24 =	vmul.f32 v24, v37;
	v43 =	vld.idx.msk [tilespmem:v23+s15+$0x0], $0xffff;
	v23 =	vshll.u32 v34, $0x1F  }
0x6a: {  	v32 =	vadd.f32 $-1.984127010e-04, v32;
	v34 =	vmul.f32 v42, v40;
	v42 =	vmul.f32 $2.755731880e-06, v33;
	v20 =	vld.idx.msk [tilespmem:v6+s14+$0x0], $0xffff  }
0x6b: {  	v29 =	vshll.u32 v25, $0x1F;
	v21 =	vmul.f32 v21, v40;
	v24 =	vadd.f32 $-1.666666720e-01, v24  }
0x6c: {  	v25 =	vmul.f32 v32, v26;
	v22 =	vadd.f32 v22, v34;
	v32 =	vadd.f32 $-1.984127010e-04, v42  }
0x6d: {  	v34 =	vadd.f32 v41, v21;
	v21 =	vmul.f32 v24, v37;
	v24 =	vmul.f32 v36, v39  }
0x6e: {  	v31 =	vmul.f32 v31, v40;
	v25 =	vadd.f32 $8.333333770e-03, v25;
	v32 =	vmul.f32 v32, v33;
	v36 =	vld.idx.msk [tilespmem:v6+s15+$0x0], $0xffff  }
0x6f: {  	v37 =	vmul.f32 $3.183098730e-01, v22;
	v41 =	vadd.f32 $1.000000000e+00, v21;
	v24 =	vadd.f32 $-1.666666720e-01, v24  }
0x70: {  	v21 =	vadd.f32 v43, v31;
	v40 =	vmul.f32 v20, v40;
	v31 =	vadd.f32 $8.333333770e-03, v32  }
0x71: {  	v32 =	vmul.f32 $3.183098730e-01, v34;
	v20 =	vadd.f32 $1.258291200e+07, v37;
	v35 =	vmul.f32 v41, v35  }
0x72: {  	v37 =	vmul.f32 $3.183098730e-01, v21;
	v41 =	vshll.u32 v18, $0x1F;
	v31 =	vmul.f32 v31, v33  }
0x73: {  	v18 =	vadd.f32 $1.258291200e+07, v32;
	v32 =	vxor.u32 v35, v41;
	v35 =	vmul.f32 v24, v39  }
.Ltmp0:
0x74: {  	v24 =	vadd.f32 v36, v40;
	v31 =	vadd.f32 $-1.666666720e-01, v31;
	v32 =	vsel vm3, v17, v32;
	v17 =	vmovc v34;
	(pc) =	sbr.rel @p1 .LBB2_3-.Ltmp0, $4  }
0x75: {  	v39 =	vmul.f32 v25, v26;
	v36 =	vadd.f32 $-1.258291200e+07, v20;
	[tilespmem:v11+s19+$0x0] =	vst.idx.msk $0xffff, v32;
	v32 =	vadd.f32 $1.000000000e+00, v35;
	v11 =	vmovc v38  }
0x76: {  	v34 =	vmul.f32 $3.183098730e-01, v24;
	v38 =	vadd.f32 $-1.258291200e+07, v18;
	v40 =	vmul.f32 v31, v33  }
0x77: {  	v25 =	vadd.f32 $1.258291200e+07, v37;
	v35 =	vmul.f32 $3.141592740e+00, v36;
	v33 =	vmul.f32 v32, v28  }
0x78: {  	s29 =	sadd.s32 $0x2, s29;
	v31 =	vadd.f32 $-1.666666720e-01, v39;
	v36 =	vmul.f32 $3.141592740e+00, v38;
	v32 =	vadd.f32 $1.000000000e+00, v40  }
0x79: {  	v8 =	vadd.f32 $1.258291200e+07, v34  }
0x7a: {  	v28 =	vadd.f32 $-1.258291200e+07, v25  }
0x7b: {  	v35 =	vsub.f32 v22, v35;
	v34 =	vadd.f32 $-1.258291200e+07, v8  }
0x7c: {  	v36 =	vsub.f32 v17, v36;
	v28 =	vmul.f32 $3.141592740e+00, v28  }
0x7d: {  	v38 =	vmul.f32 v35, v35;
	v34 =	vmul.f32 $3.141592740e+00, v34  }
0x7e: {  	v37 =	vmul.f32 v36, v36;
	v28 =	vsub.f32 v21, v28  }
0x7f: {  	v41 =	vmul.f32 $2.755731880e-06, v38;
	v34 =	vsub.f32 v24, v34  }
0x80: {  	v39 =	vmul.f32 $2.755731880e-06, v37;
	v40 =	vmul.f32 v28, v28  }
0x81: {  	v26 =	vmul.f32 v31, v26;
	v42 =	vmul.f32 v34, v34  }
0x82: {  	v54 =	vadd.f32 $-1.984127010e-04, v41;
	v39 =	vadd.f32 $-1.984127010e-04, v39;
	v43 =	vmul.f32 $2.755731880e-06, v40  }
0x83: {  	v30 =	vxor.u32 v33, v30;
	v27 =	vmul.f32 v32, v27;
	v55 =	vmul.f32 $2.755731880e-06, v42  }
0x84: {  	v57 =	vmul.f32 v54, v38;
	v31 =	vmul.f32 v39, v37;
	v56 =	vadd.f32 $-1.984127010e-04, v43  }
0x85: {  	v26 =	vadd.f32 $1.000000000e+00, v26;
	v27 =	vxor.u32 v27, v29;
	v58 =	vadd.f32 $-1.984127010e-04, v55  }
0x86: {  	v29 =	vadd.f32 $8.333333770e-03, v57;
	v31 =	vadd.f32 $8.333333770e-03, v31;
	v39 =	vmul.f32 v56, v40  }
0x87: {  	v7 =	vsel vm2, v7, v30;
	v19 =	vmul.f32 v26, v19;
	v59 =	vmul.f32 v58, v42  }
0x88: {  	v29 =	vmul.f32 v29, v38;
	v26 =	vmul.f32 v31, v37;
	v31 =	vadd.f32 $8.333333770e-03, v39  }
0x89: {  	v15 =	vsel vm1, v15, v27;
	v19 =	vxor.u32 v19, v23;
	v30 =	vadd.f32 $8.333333770e-03, v59  }
0x8a: {  	v27 =	vadd.f32 $-1.666666720e-01, v29;
	v23 =	vadd.f32 $-1.666666720e-01, v26;
	v26 =	vmul.f32 v31, v40  }
0x8b: {  	v13 =	vsel vm0, v13, v19;
	vm0 =	veq.s32 v16, $0x1F;
	v29 =	vmul.f32 v30, v42  }
0x8c: {  	v16 =	vmul.f32 v27, v38;
	v19 =	vmul.f32 v23, v37;
	v23 =	vadd.f32 $-1.666666720e-01, v26  }
0x8d: {  	vm2 =	veq.s32 v12, $0x1F;
	vm1 =	veq.s32 v14, $0x1F;
	v26 =	vadd.f32 $-1.666666720e-01, v29  }
0x8e: {  	v12 =	vadd.f32 $1.000000000e+00, v16;
	v14 =	vadd.f32 $1.000000000e+00, v19;
	v19 =	vmul.f32 v23, v40  }
0x8f: {  	v16 =	vmul.f32 v26, v42  }
0x90: {  	[tilespmem:v2+s19+$0x0] =	vst.idx.msk $0xffff, v7;
	v12 =	vmul.f32 v12, v35;
	v7 =	vmul.f32 v14, v36;
	v14 =	vadd.f32 $1.000000000e+00, v19  }
0x91: {  	v2 =	vshll.u32 v20, $0x1F;
	[tilespmem:v4+s19+$0x0] =	vst.idx.msk $0xffff, v15;
	v4 =	vshll.u32 v18, $0x1F;
	v15 =	vadd.f32 $1.000000000e+00, v16  }
0x92: {  	v2 =	vxor.u32 v12, v2;
	v4 =	vxor.u32 v7, v4;
	v7 =	vmul.f32 v14, v28  }
0x93: {  	[tilespmem:v3+s19+$0x0] =	vst.idx.msk $0xffff, v13;
	v3 =	vshll.u32 v25, $0x1F;
	v2 =	vsel vm2, v22, v2;
	v12 =	vmul.f32 v15, v34  }
0x94: {  	s0 =	sshll.u32 s25, $0xD;
	v8 =	vshll.u32 v8, $0x1F;
	v4 =	vsel vm1, v17, v4;
	[tilespmem:v10+s19+$0x0] =	vst.idx.msk $0xffff, v2;
	v3 =	vxor.u32 v7, v3  }
0x95: {  	s0 =	sadd.s32 s9, s0;
	vm1 =	veq.s32 v5, $0x1F;
	[tilespmem:v11+s19+$0x0] =	vst.idx.msk $0xffff, v4;
	v3 =	vsel vm0, v21, v3;
	v4 =	vxor.u32 v12, v8  }
0x96: {  	s0 =	sshrl.u32 s0, $0x3;
	[tilespmem:v9+s19+$0x0] =	vst.idx.msk $0xffff, v3;
	v2 =	vsel vm1, v24, v4  }
0x97: {  	p1 =	seq.s32 s25, $0x63;
	s0 =	sadd.s32 s2, s0;
	[tilespmem:v6+s19+$0x0] =	vst.idx.msk $0xffff, v2  }
0x98: {  	[hbm4b:s0+s3] =	stream.linear.scatter [tilespmem:s19], [sflag:$0x3], $0x1000, $0x38;
	[tilespmem:$0x12800] =	vst v63  }
0x99: {  	s0 =	sshll.u32 @!p1 s25, $0x8  }
0x9a: {  	s0 =	sand.u32 @!p1 $0x3FFFFF00, s0  }
0x9b: {  	s1 =	simm.s32 @!p1 $0x80;
	s28 =	simm.s32 @!p1 $0xC800;
	s0 =	sadd.s32 @!p1 $0x100, s0  }
0x9c: {  	[tilespmem:s28], [sflag:$0x1] =	stream.indirect.gather @!p1 [hbm4b:s5+s1], $0x20, s0, s1, $0xb8;
	[tilespmem:$0x12800] =	vst v63  }
0x9d: {  	s28 =	simm.s32 @!p1 $0xE800  }
0x9e: {  	[tilespmem:s28], [sflag:$0x1] =	stream.indirect.gather @!p1 [hbm4b:s6+s1], $0x20, s0, s1, $0xb8;
	[tilespmem:$0x12800] =	vst v63  }
0x9f: {  	s30 =	simm.s32 $0x0;
	s31 =	simm.s32 $0x0;
	_ =	swait.ge [sflag:s20], $0x1000  }
0xa0: {  	s0 =	sand.u32 $0x70, s30;
	s1 =	sand.u32 $0x1C, s31;
	[sflag:s20] =	ssyncset.done $0x0  }
0xa1: {  	s28 =	sadd.s32 $0x6400, s26;
	v2 =	vmov s0;
	s29 =	sor.u32 $0x3, s1;
	[sflag:s20] =	ssyncadd.s32 $0xFFFFF000  }
0xa2: {  	v9 =	vmov s28;
	s28 =	sor.u32 $0x2, s1;
	v2 =	vshll.u32 v2, $0x5;
	v3 =	vadd.s32 s29, v0;
	_ =	swait.ge [sflag:s20], $0x1000  }
0xa3: {  	v4 =	vadd.s32 s28, v0;
	v5 =	vor.u32 v1, v2;
	v17 =	vand.u32 $0x1F, v3;
	[sflag:s20] =	ssyncset.done $0x0  }
0xa4: {  	s28 =	simm.s32 @!p0 $0x4;
	v18 =	vand.u32 $0x1F, v4;
	v2 =	vor.u32 v17, v5;
	[sflag:s20] =	ssyncadd.s32 $0xFFFFF000  }
0xa5: {  	s29 =	sor.u32 $0x1, s1;
	v28 =	vor.u32 v18, v5;
	_ =	swait.ge @!p0 [sflag:s28], $0x1000  }
0xa6: {  	v3 =	vadd.s32 s29, v0;
	[sflag:s28] =	ssyncset.done @!p0 $0x0  }
0xa7: {  	v4 =	vadd.s32 s1, v0;
	v20 =	vand.u32 $0x1F, v3;
	[sflag:s28] =	ssyncadd.s32 @!p0 $0xFFFFF000  }
0xa8: {  	v21 =	vand.u32 $0x1F, v4;
	v4 =	vor.u32 v20, v5;
	v6 =	vld.idx.msk [tilespmem:v9+s0+$0x0 ss:$0x1], $0xffff  }
0xa9: {  	v3 =	vor.u32 v21, v5;
	v7 =	vld.idx.msk [tilespmem:v2+s16+$0x0], $0xffff  }
0xaa: {  	v5 =	vld.idx.msk [tilespmem:v28+s16+$0x0], $0xffff  }
0xab: {  	v8 =	vld.idx.msk [tilespmem:v28+s17+$0x0], $0xffff  }
0xac: {  	v10 =	vld.idx.msk [tilespmem:v2+s17+$0x0], $0xffff  }
0xad: {  	v11 =	vld.idx.msk [tilespmem:v4+s16+$0x0], $0xffff  }
0xae: {  	v12 =	vld.idx.msk [tilespmem:v3+s16+$0x0], $0xffff  }
0xaf: {  	v13 =	vld.idx.msk [tilespmem:v4+s17+$0x0], $0xffff;
	v7 =	vmul.f32 v7, v6;
	v5 =	vmul.f32 v5, v6;
	_ =	sdelay $0x1  }
0xb0: {  	v7 =	vadd.f32 v10, v7;
	v25 =	vadd.f32 v8, v5;
	v5 =	vld.idx.msk [tilespmem:v3+s17+$0x0], $0xffff  }
0xb1: {  	v11 =	vmul.f32 v11, v6  }
0xb2: {  	v8 =	vmul.f32 $3.183098730e-01, v7;
	v10 =	vmul.f32 $3.183098730e-01, v25  }
0xb3: {  	v6 =	vmul.f32 v12, v6;
	v15 =	vadd.f32 v13, v11  }
0xb4: {  	v22 =	vadd.f32 $1.258291200e+07, v8;
	v24 =	vadd.f32 $1.258291200e+07, v10  }
0xb5: {  	v8 =	vmul.f32 $3.183098730e-01, v15;
	v13 =	vadd.f32 v5, v6  }
0xb6: {  	v5 =	vadd.f32 $-1.258291200e+07, v22;
	v6 =	vadd.f32 $-1.258291200e+07, v24  }
0xb7: {  	s30 =	simm.s32 $0x2;
	s28 =	simm.s32 $0x4;
	v29 =	vadd.f32 $1.258291200e+07, v8;
	v10 =	vmul.f32 $3.183098730e-01, v13  }
0xb8: {  	s0 =	sand.u32 $0x70, s30;
	s31 =	sand.u32 $0x1C, s28;
	v5 =	vmul.f32 $3.141592740e+00, v5;
	v6 =	vmul.f32 $3.141592740e+00, v6  }
0xb9: {  	s30 =	sor.u32 $0x2, s31;
	v8 =	vmov s0;
	v62 =	vadd.f32 $-1.258291200e+07, v29;
	v23 =	vadd.f32 $1.258291200e+07, v10  }
0xba: {  	s29 =	sor.u32 $0x1, s31;
	v10 =	vadd.s32 s30, v0;
	v31 =	vsub.f32 v7, v5;
	v32 =	vsub.f32 v25, v6  }
0xbb: {  	s1 =	sor.u32 $0x3, s31;
	v6 =	vshll.u32 v8, $0x5;
	v5 =	vadd.s32 s31, v0;
	v8 =	vadd.s32 s29, v0  }
0xbc: {  	v14 =	vand.u32 $0x1F, v10;
	v19 =	vor.u32 v1, v6;
	v6 =	vadd.s32 s1, v0  }
0xbd: {  	v16 =	vand.u32 $0x1F, v8;
	v60 =	vmul.f32 v32, v32;
	v12 =	vand.u32 $0x1F, v6  }
0xbe: {  	v61 =	vmul.f32 v31, v31;
	v6 =	vadd.f32 $-1.258291200e+07, v23;
	v11 =	vor.u32 v14, v19  }
0xbf: {  	v5 =	vand.u32 $0x1F, v5;
	v8 =	vor.u32 v16, v19;
	v26 =	vmul.f32 $2.755731880e-06, v60  }
0xc0: {  	v10 =	vor.u32 v12, v19;
	v27 =	vmul.f32 $2.755731880e-06, v61;
	v30 =	vmul.f32 $3.141592740e+00, v6  }
0xc1: {  	v6 =	vor.u32 v5, v19;
	v26 =	vadd.f32 $-1.984127010e-04, v26  }
0xc2: {  	v63 =	vld.idx.msk [tilespmem:v9+s0+$0x0 ss:$0x1], $0xffff;
	v44 =	vadd.f32 $-1.984127010e-04, v27;
	v19 =	vsub.f32 v13, v30;
	v27 =	vmul.f32 $3.141592740e+00, v62  }
0xc3: {  	vm3 =	veq.s32 v18, $0x1F;
	vm0 =	veq.s32 v21, $0x1F;
	vm1 =	veq.s32 v20, $0x1F;
	v21 =	vld.idx.msk [tilespmem:v11+s16+$0x0], $0xffff  }
0xc4: {  	v49 =	vld.idx.msk [tilespmem:v8+s16+$0x0], $0xffff;
	v20 =	vmul.f32 v26, v60;
	v26 =	vmul.f32 v19, v19;
	v27 =	vsub.f32 v15, v27  }
0xc5: {  	vm2 =	veq.s32 v17, $0x1F;
	v24 =	vshll.u32 v24, $0x1F;
	v45 =	vld.idx.msk [tilespmem:v10+s16+$0x0], $0xffff;
	v30 =	vmul.f32 v44, v61  }
0xc6: {  	v17 =	vld.idx.msk [tilespmem:v11+s17+$0x0], $0xffff;
	v18 =	vadd.f32 $8.333333770e-03, v20;
	v20 =	vmul.f32 $2.755731880e-06, v26;
	v47 =	vmul.f32 v27, v27  }
0xc7: {  	v29 =	vshll.u32 v29, $0x1F;
	v23 =	vshll.u32 v23, $0x1F;
	v46 =	vld.idx.msk [tilespmem:v10+s17+$0x0], $0xffff;
	v48 =	vadd.f32 $8.333333770e-03, v30  }
0xc8: {  	v52 =	vld.idx.msk [tilespmem:v6+s16+$0x0], $0xffff;
	v18 =	vmul.f32 v18, v60;
	v20 =	vadd.f32 $-1.984127010e-04, v20;
	v51 =	vmul.f32 $2.755731880e-06, v47  }
0xc9: {  	v50 =	vld.idx.msk [tilespmem:v8+s17+$0x0], $0xffff;
	v30 =	vshll.u32 v22, $0x1F;
	v21 =	vmul.f32 v21, v63;
	v53 =	vmul.f32 v49, v63  }
0xca: {  	v22 =	vmul.f32 v45, v63;
	v20 =	vmul.f32 v20, v26;
	v35 =	vadd.f32 $-1.984127010e-04, v51  }
0xcb: {  	v18 =	vadd.f32 $-1.666666720e-01, v18;
	v17 =	vadd.f32 v17, v21;
	v21 =	vmul.f32 v48, v61  }
0xcc: {  	v22 =	vadd.f32 v46, v22;
	v54 =	vadd.f32 $8.333333770e-03, v20;
	v20 =	vmul.f32 v35, v47  }
0xcd: {  	v36 =	vmul.f32 v52, v63;
	v18 =	vmul.f32 v18, v60;
	v57 =	vadd.f32 $-1.666666720e-01, v21  }
0xce: {  	v55 =	vld.idx.msk [tilespmem:v6+s17+$0x0], $0xffff;
	v21 =	vadd.f32 v50, v53;
	v56 =	vmul.f32 $3.183098730e-01, v22;
	v58 =	vadd.f32 $8.333333770e-03, v20  }
0xcf: {  	v59 =	vmul.f32 $3.183098730e-01, v17;
	v18 =	vadd.f32 $1.000000000e+00, v18;
	v34 =	vmul.f32 v57, v61  }
0xd0: {  	v60 =	vmul.f32 $3.183098730e-01, v21;
	v20 =	vadd.f32 $1.258291200e+07, v56;
	v33 =	vmul.f32 v58, v47  }
0xd1: {  	v32 =	vmul.f32 v18, v32;
	v18 =	vadd.f32 $1.258291200e+07, v59;
	v62 =	vadd.f32 $1.000000000e+00, v34  }
0xd2: {  	v37 =	vmul.f32 v54, v26;
	v61 =	vadd.f32 $-1.258291200e+07, v20;
	v33 =	vadd.f32 $-1.666666720e-01, v33  }
0xd3: {  	v32 =	vxor.u32 v32, v24;
	v24 =	vadd.f32 v55, v36;
	v63 =	vadd.f32 $-1.258291200e+07, v18  }
0xd4: {  	v32 =	vsel vm3, v25, v32;
	v35 =	vmul.f32 $3.141592740e+00, v61;
	v38 =	vmul.f32 v33, v47  }
0xd5: {  	v25 =	vadd.f32 $1.258291200e+07, v60;
	v34 =	vmul.f32 $3.183098730e-01, v24;
	v33 =	vmul.f32 v62, v31  }
0xd6: {  	s29 =	simm.s32 $0x4;
	[tilespmem:v28+s21+$0x0] =	vst.idx.msk $0xffff, v32;
	v36 =	vmul.f32 $3.141592740e+00, v63;
	v31 =	vadd.f32 $-1.666666720e-01, v37;
	v32 =	vadd.f32 $1.000000000e+00, v38  }
.LBB2_5:
0xd7: {  	s28 =	sadd.s32 $0x4, s28;
	s0 =	sand.u32 $0x70, s29;
	v34 =	vadd.f32 $1.258291200e+07, v34;
	v28 =	vsub.f32 v22, v35;
	v30 =	vxor.u32 v33, v30  }
0xd8: {  	s1 =	sand.u32 $0x1C, s28;
	v33 =	vmov s0;
	p0 =	slt.u32 s28, $0xFC;
	v35 =	vsub.f32 v17, v36;
	v27 =	vmul.f32 v32, v27  }
0xd9: {  	v26 =	vmul.f32 v31, v26;
	v32 =	vshll.u32 v33, $0x5;
	v33 =	vadd.s32 s1, v0;
	s30 =	sor.u32 $0x1, s1;
	s31 =	sor.u32 $0x2, s1;
	s1 =	sor.u32 $0x3, s1  }
0xda: {  	v31 =	vadd.s32 s30, v0;
	v36 =	vadd.s32 s31, v0;
	v27 =	vxor.u32 v27, v29  }
0xdb: {  	v29 =	vand.u32 $0x1F, v33;
	v32 =	vor.u32 v1, v32;
	v26 =	vadd.f32 $1.000000000e+00, v26  }
0xdc: {  	v37 =	vmul.f32 v35, v35;
	v33 =	vand.u32 $0x1F, v36;
	v36 =	vadd.s32 s1, v0  }
0xdd: {  	v31 =	vand.u32 $0x1F, v31;
	v36 =	vand.u32 $0x1F, v36;
	v19 =	vmul.f32 v26, v19  }
0xde: {  	v30 =	vsel vm2, v7, v30;
	v7 =	vmovc v22;
	v26 =	vor.u32 v29, v32;
	v38 =	vor.u32 v33, v32  }
0xdf: {  	v39 =	vmul.f32 v28, v28;
	v22 =	vor.u32 v36, v32;
	v19 =	vxor.u32 v19, v23  }
0xe0: {  	v15 =	vsel vm1, v15, v27;
	v23 =	vor.u32 v31, v32;
	v32 =	vadd.f32 $-1.258291200e+07, v34;
	[tilespmem:v2+s21+$0x0] =	vst.idx.msk $0xffff, v30  }
0xe1: {  	v27 =	vmul.f32 $2.755731880e-06, v37;
	v13 =	vsel vm0, v13, v19;
	v30 =	vmul.f32 $2.755731880e-06, v39;
	v2 =	vmovc v10;
	[tilespmem:v4+s21+$0x0] =	vst.idx.msk $0xffff, v15  }
0xe2: {  	v43 =	vmul.f32 $3.141592740e+00, v32;
	v32 =	vadd.f32 $-1.258291200e+07, v25;
	v40 =	vld.idx.msk [tilespmem:v9+s0+$0x0 ss:$0x1], $0xffff;
	[tilespmem:v3+s21+$0x0] =	vst.idx.msk $0xffff, v13;
	v3 =	vmovc v6;
	v6 =	vmov v26  }
0xe3: {  	v10 =	vmovc v22;
	v4 =	vmovc v8;
	v8 =	vmov v23;
	v26 =	vadd.f32 $-1.984127010e-04, v27;
	v30 =	vadd.f32 $-1.984127010e-04, v30;
	v41 =	vld.idx.msk [tilespmem:v38+s17+$0x0], $0xffff  }
0xe4: {  	v15 =	vmovc v21;
	v19 =	vsub.f32 v24, v43;
	v27 =	vmul.f32 $3.141592740e+00, v32;
	v13 =	vmov v24;
	v42 =	vld.idx.msk [tilespmem:v22+s16+$0x0], $0xffff  }
0xe5: {  	vm1 =	veq.s32 v16, $0x1F;
	v16 =	vmovc v31;
	vm0 =	veq.s32 v5, $0x1F;
	v5 =	vmovc v29;
	v24 =	vmul.f32 v26, v37;
	v21 =	vld.idx.msk [tilespmem:v38+s16+$0x0], $0xffff  }
0xe6: {  	v26 =	vmul.f32 v19, v19;
	v27 =	vsub.f32 v15, v27;
	v29 =	vmul.f32 v30, v39;
	v22 =	vld.idx.msk [tilespmem:v22+s17+$0x0], $0xffff  }
0xe7: {  	vm3 =	veq.s32 v14, $0x1F;
	vm2 =	veq.s32 v12, $0x1F;
	v14 =	vmovc v33;
	v12 =	vmovc v36;
	v24 =	vadd.f32 $8.333333770e-03, v24;
	v31 =	vld.idx.msk [tilespmem:v23+s16+$0x0], $0xffff  }
0xe8: {  	v32 =	vmul.f32 $2.755731880e-06, v26;
	v33 =	vmul.f32 v27, v27;
	v36 =	vadd.f32 $8.333333770e-03, v29  }
0xe9: {  	v30 =	vshll.u32 v20, $0x1F;
	v24 =	vmul.f32 v24, v37;
	v43 =	vld.idx.msk [tilespmem:v23+s17+$0x0], $0xffff;
	v23 =	vshll.u32 v34, $0x1F  }
0xea: {  	v32 =	vadd.f32 $-1.984127010e-04, v32;
	v34 =	vmul.f32 v42, v40;
	v42 =	vmul.f32 $2.755731880e-06, v33;
	v20 =	vld.idx.msk [tilespmem:v6+s16+$0x0], $0xffff  }
0xeb: {  	v29 =	vshll.u32 v25, $0x1F;
	v21 =	vmul.f32 v21, v40;
	v24 =	vadd.f32 $-1.666666720e-01, v24  }
0xec: {  	v25 =	vmul.f32 v32, v26;
	v22 =	vadd.f32 v22, v34;
	v32 =	vadd.f32 $-1.984127010e-04, v42  }
0xed: {  	v34 =	vadd.f32 v41, v21;
	v21 =	vmul.f32 v24, v37;
	v24 =	vmul.f32 v36, v39  }
0xee: {  	v31 =	vmul.f32 v31, v40;
	v25 =	vadd.f32 $8.333333770e-03, v25;
	v32 =	vmul.f32 v32, v33;
	v36 =	vld.idx.msk [tilespmem:v6+s17+$0x0], $0xffff  }
0xef: {  	v37 =	vmul.f32 $3.183098730e-01, v22;
	v41 =	vadd.f32 $1.000000000e+00, v21;
	v24 =	vadd.f32 $-1.666666720e-01, v24  }
0xf0: {  	v21 =	vadd.f32 v43, v31;
	v40 =	vmul.f32 v20, v40;
	v31 =	vadd.f32 $8.333333770e-03, v32  }
0xf1: {  	v32 =	vmul.f32 $3.183098730e-01, v34;
	v20 =	vadd.f32 $1.258291200e+07, v37;
	v35 =	vmul.f32 v41, v35  }
0xf2: {  	v37 =	vmul.f32 $3.183098730e-01, v21;
	v41 =	vshll.u32 v18, $0x1F;
	v31 =	vmul.f32 v31, v33  }
0xf3: {  	v18 =	vadd.f32 $1.258291200e+07, v32;
	v32 =	vxor.u32 v35, v41;
	v35 =	vmul.f32 v24, v39  }
.Ltmp1:
0xf4: {  	v24 =	vadd.f32 v36, v40;
	v31 =	vadd.f32 $-1.666666720e-01, v31;
	v32 =	vsel vm3, v17, v32;
	v17 =	vmovc v34;
	(pc) =	sbr.rel @p0 .LBB2_5-.Ltmp1, $4  }
0xf5: {  	v39 =	vmul.f32 v25, v26;
	v36 =	vadd.f32 $-1.258291200e+07, v20;
	[tilespmem:v11+s21+$0x0] =	vst.idx.msk $0xffff, v32;
	v32 =	vadd.f32 $1.000000000e+00, v35;
	v11 =	vmovc v38  }
0xf6: {  	v34 =	vmul.f32 $3.183098730e-01, v24;
	v38 =	vadd.f32 $-1.258291200e+07, v18;
	v40 =	vmul.f32 v31, v33  }
0xf7: {  	v25 =	vadd.f32 $1.258291200e+07, v37;
	v35 =	vmul.f32 $3.141592740e+00, v36;
	v33 =	vmul.f32 v32, v28  }
0xf8: {  	s29 =	sadd.s32 $0x2, s29;
	v31 =	vadd.f32 $-1.666666720e-01, v39;
	v36 =	vmul.f32 $3.141592740e+00, v38;
	v32 =	vadd.f32 $1.000000000e+00, v40  }
0xf9: {  	v9 =	vadd.f32 $1.258291200e+07, v34  }
0xfa: {  	v28 =	vadd.f32 $-1.258291200e+07, v25  }
0xfb: {  	v34 =	vadd.f32 $-1.258291200e+07, v9  }
0xfc: {  	v35 =	vsub.f32 v22, v35;
	v28 =	vmul.f32 $3.141592740e+00, v28  }
0xfd: {  	v36 =	vsub.f32 v17, v36;
	v34 =	vmul.f32 $3.141592740e+00, v34  }
0xfe: {  	v38 =	vmul.f32 v35, v35;
	v28 =	vsub.f32 v21, v28  }
0xff: {  	v37 =	vmul.f32 v36, v36;
	v34 =	vsub.f32 v24, v34  }
0x100: {  	v41 =	vmul.f32 $2.755731880e-06, v38;
	v40 =	vmul.f32 v28, v28  }
0x101: {  	v39 =	vmul.f32 $2.755731880e-06, v37;
	v42 =	vmul.f32 v34, v34  }
0x102: {  	v56 =	vadd.f32 $-1.984127010e-04, v41;
	v43 =	vmul.f32 $2.755731880e-06, v40  }
0x103: {  	v30 =	vxor.u32 v33, v30;
	v39 =	vadd.f32 $-1.984127010e-04, v39;
	v57 =	vmul.f32 $2.755731880e-06, v42  }
0x104: {  	vm12 =	veq.s32 v16, $0x1F;
	v60 =	vmul.f32 v56, v38;
	v59 =	vadd.f32 $-1.984127010e-04, v43  }
0x105: {  	vm13 =	veq.s32 v14, $0x1F;
	v58 =	vmul.f32 v39, v37;
	v61 =	vadd.f32 $-1.984127010e-04, v57  }
0x106: {  	v27 =	vmul.f32 v32, v27;
	v62 =	vadd.f32 $8.333333770e-03, v60;
	v39 =	vmul.f32 v59, v40  }
0x107: {  	v26 =	vmul.f32 v31, v26;
	v31 =	vadd.f32 $8.333333770e-03, v58;
	v63 =	vmul.f32 v61, v42  }
0x108: {  	v27 =	vxor.u32 v27, v29;
	v29 =	vmul.f32 v62, v38;
	v43 =	vadd.f32 $8.333333770e-03, v39  }
0x109: {  	vm14 =	veq.s32 v12, $0x1F;
	v41 =	vmul.f32 v31, v37;
	v44 =	vadd.f32 $8.333333770e-03, v63  }
0x10a: {  	v7 =	vsel vm2, v7, v30;
	v47 =	vadd.f32 $-1.666666720e-01, v29;
	v46 =	vmul.f32 v43, v40  }
0x10b: {  	v26 =	vadd.f32 $1.000000000e+00, v26;
	v45 =	vadd.f32 $-1.666666720e-01, v41;
	v48 =	vmul.f32 v44, v42  }
0x10c: {  	[tilespmem:v2+s21+$0x0] =	vst.idx.msk $0xffff, v7;
	v2 =	vshll.u32 v20, $0x1F;
	v51 =	vmul.f32 v47, v38;
	v50 =	vadd.f32 $-1.666666720e-01, v46  }
0x10d: {  	v19 =	vmul.f32 v26, v19;
	v49 =	vmul.f32 v45, v37;
	v52 =	vadd.f32 $-1.666666720e-01, v48  }
0x10e: {  	v15 =	vsel vm1, v15, v27;
	v55 =	vadd.f32 $1.000000000e+00, v51;
	v54 =	vmul.f32 v50, v40  }
0x10f: {  	v19 =	vxor.u32 v19, v23;
	v53 =	vadd.f32 $1.000000000e+00, v49;
	v56 =	vmul.f32 v52, v42  }
0x110: {  	v13 =	vsel vm0, v13, v19;
	v12 =	vmul.f32 v55, v35;
	v58 =	vadd.f32 $1.000000000e+00, v54  }
0x111: {  	[tilespmem:v3+s21+$0x0] =	vst.idx.msk $0xffff, v13;
	v3 =	vshll.u32 v25, $0x1F;
	v57 =	vmul.f32 v53, v36;
	v60 =	vadd.f32 $1.000000000e+00, v56  }
0x112: {  	s25 =	sadd.s32 $0x1, s25;
	[tilespmem:v4+s21+$0x0] =	vst.idx.msk $0xffff, v15;
	v59 =	vshll.u32 v18, $0x1F;
	v2 =	vxor.u32 v12, v2;
	v61 =	vmul.f32 v58, v28  }
0x113: {  	p0 =	sne.s32 s25, $0x64;
	v4 =	vxor.u32 v57, v59;
	v2 =	vsel vm14, v22, v2;
	v62 =	vmul.f32 v60, v34  }
.Ltmp2:
0x114: {  	s0 =	sadd.s32 s4, s26;
	v9 =	vshll.u32 v9, $0x1F;
	v4 =	vsel vm13, v17, v4;
	[tilespmem:v10+s21+$0x0] =	vst.idx.msk $0xffff, v2;
	v3 =	vxor.u32 v61, v3;
	(pc) =	sbr.rel @p0 .LBB2_2-.Ltmp2, $4  }
0x115: {  	vm15 =	veq.s32 v5, $0x1F;
	s0 =	sshll.u32 s0, $0x2;
	[tilespmem:v11+s21+$0x0] =	vst.idx.msk $0xffff, v4;
	v3 =	vsel vm12, v21, v3;
	v63 =	vxor.u32 v62, v9  }
0x116: {  	s0 =	sand.u32 $0x1FFFFE00, s0;
	[tilespmem:v8+s21+$0x0] =	vst.idx.msk $0xffff, v3;
	v2 =	vsel vm15, v24, v63  }
0x117: {  	s0 =	sadd.s32 s2, s0;
	[tilespmem:v6+s21+$0x0] =	vst.idx.msk $0xffff, v2  }
0x118: {  	[hbm4b:s0+s3] =	stream.linear.scatter [tilespmem:s21], [sflag:$0x4], $0x1000, $0x38;
	[tilespmem:$0x12800] =	vst v63  }
0x119: {  	s24 =	sadd.s32 $0x1, s24  }
0x11a: {  	_ =	swait.ge [sflag:s22], $0x1000;
	p0 =	sne.s32 s24, s10  }
.Ltmp3:
0x11b: {  	[sflag:s22] =	ssyncset.done $0x0;
	(pc) =	sbr.rel @p0 .LBB2_1-.Ltmp3, $4  }
0x11c: {  	[sflag:s22] =	ssyncadd.s32 $0xFFFFF000  }
0x11d: {  	_ =	swait.ge [sflag:s23], $0x1000  }
0x11e: {  	[sflag:s23] =	ssyncset.done $0x0  }
0x11f: {  	[sflag:s23] =	ssyncadd.s32 $0xFFFFF000  }
0x120: {  	_ =	sfence.sel $0x180000  }
0x121: {  	[bflag:$0x0] =	sbarrier.arrive $0xFFFF  }
0x122: {  	_ =	strace $0x9000004D  }
0x123: {  	s0 =	stileid.u32;
	[bflag:$0x2] =	sbarrier.arrive $0xFFFF  }
0x124: {  	p0 =	sne.s32 s0, $0x0;
	s0 =	rddreg [dreg:$0x4]  }
0x125: {  	s0 =	sadd.s32 @!p0 $0x100000, s0  }
0x126: {  	[sflag:s0] =	ssyncadd.tile.s32 @!p0 $0x1;
	_ =	shalt  }
.Lfunc_end2:
_tile_overlayer_lowered:
.L_overlay_start_2:
0x127: {  	(tag) =	ssettag $0x2  }
0x128: {  	s0 =	rddreg [dreg:$0x0];
	s2 =	stileid.u32  }
0x129: {  	s1 =	rddreg [dreg:$0x1];
	p0 =	sne.s32 s2, $0x0  }
0x12a: {  	s3 =	rddreg [dreg:$0x2];
	[bflag:$0x3] =	sbarrier.arrive $0xFFFF;
	s2 =	simm.s32 @!p0 $0x1C05  }
0x12b: {  	[timem:s3], [sflag:s2] =	dma.local @!p0 [hbm:s0], s1  }
0x12c: {  	s0 =	simm.s32 @!p0 $0x5  }
0x12d: {  	_ =	swait.ge @!p0 [sflag:s0], s1  }
0x12e: {  	s1 =	ssub.s32 @!p0 $0x0, s1;
	[sflag:s0] =	ssyncset.done @!p0 $0x0  }
0x12f: {  	[sflag:s0] =	ssyncadd.s32 @!p0 s1  }
0x130: {  	[bflag:$0x3] =	sbarrier.arrive $0xFFFF  }
0x131: {  	_ =	shalt  }

// kernel: sparse-core-data-format-call.1.cloned.1.call-start
scs
called_computation.1_lowered:
.L_overlay_start_0:
0x0: {  	s1 =	sld [smem:$0x3FD9]  }
0x1: {  	s2 =	sld [smem:$0x3FFE];
	_ =	sdelay $0x1  }
0x2: {  	s3 =	srdreg.scid  }
0x3: {  	s0 =	sand.u32 $0x1, s3  }
0x4: {  	s17 =	sshll.u32 s0, $0xA;
	s1 =	sadd.s32 s2, s1  }
0x5: {  	s1 =	sadd.s32 s1, s17  }
0x6: {  	[smem:$0x3FC2] =	sst s1  }
0x7: {  	_ = 	snop  }
0x8: {  	(tm) =	ssettm $0x1  }
0x9: {  	s18 =	sld [smem:$0x3FFB];
	_ =	sdelay $0x3  }
0xa: {  	_ =	strace s18  }
0xb: {  	s1 =	sld [smem:$0x3FFC];
	_ =	sdelay $0x3  }
0xc: {  	_ =	strace s1  }
0xd: {  	s1 =	sld [smem:$0x3FFD];
	_ =	sdelay $0x3  }
0xe: {  	_ =	strace s1  }
0xf: {  	_ =	strace $0x8FFFFFFF  }
0x10: {  	s19 =	sld [smem:$0x3FDB];
	_ =	sdelay $0x1  }
0x11: {  	s20 =	simm.s32 $_scs_section_size  }
0x12: {  	s4 =	simm.s32 $_size__tile_overlayer_lowered;
	s5 =	simm.s32 $_tile_overlayer_lowered  }
0x13: {  	s23 =	simm.s32 $0x1BFF;
	s22 =	sshll.u32 s5, $0x1;
	s1 =	sadd.s32 s20, s19  }
0x14: {  	s6 =	simm.s32 $0x0;
	s21 =	sshll.u32 s4, $0x1;
	s4 =	sadd.s32 s22, s1  }
0x15: {  	[timem:s6], [sflag:s23] =	dma.local [hbm:s4], s21  }
0x16: {  	_ =	swait.ge [sflag:s23], s21  }
0x17: {  	s2 =	ssub.s32 $0x0, s21;
	[sflag:s23] =	ssyncset.done $0x0  }
0x18: {  	[sflag:s23] =	ssyncadd.s32 s2;
	_ =	sdelay $0x1  }
0x19: {  	s24 =	simm.s32 $0x1B8B  }
0x1a: {  	_ =	swait.ge [sflag:s24], $0x1  }
0x1b: {  	[sflag:s24] =	ssyncset.done $0x0  }
0x1c: {  	s26 =	simm.s32 $0x1B8E;
	s25 =	sld [smem:$0x3FFE];
	[sflag:s24] =	ssyncadd.s32 $0xFFFFFFFF  }
0x1d: {  	s27 =	simm.s32 $execute0_lowered;
	[smem:$0x3FD2] =	sst s26  }
0x1e: {  	s4 =	sshll.u32 s27, $0x1;
	_ =	strace $0x80000046;
	[dreg:$0x1] =	wrdreg $0xFFFFFFFF  }
0x1f: {  	s28 =	simm.s32 $_size_execute0_lowered;
	s1 =	sadd.s32 s1, s4;
	[dreg:$0x0] =	wrdreg $0x0  }
0x20: {  	s4 =	sshll.u32 s28, $0x1;
	[dreg:$0x2] =	wrdreg s1  }
0x21: {  	[dreg:$0x3] =	wrdreg s4  }
0x22: {  	[dreg:$0x4] =	wrdreg $0xC0  }
0x23: {  	_ =	task [dreg:s6], $0x5FFFF  }
0x24: {  	[dreg:$0x1] =	wrdreg $0xFFFFFFFF  }
0x25: {  	[dreg:$0x0] =	wrdreg $0x60  }
0x26: {  	[dreg:$0x2] =	wrdreg s25  }
0x27: {  	[dreg:$0x3] =	wrdreg $0x9  }
0x28: {  	_ =	task.clear_ibuf [dreg:s6], $0x4FFFF;
	_ =	strace $0x90000046  }
0x29: {  	s29 =	simm.s32 $0x9;
	_ =	strace $0x80000048  }
0x2a: {  	_ =	swait.ge [sflag:s29], $0x1  }
0x2b: {  	[sflag:s29] =	ssyncadd.s32 $0xFFFFFFFF  }
0x2c: {  	_ =	strace $0x90000048  }
0x2d: {  	_ =	sfence  }
0x2e: {  	s30 =	sld [smem:$0x0];
	_ =	sdelay $0x2  }
0x2f: {  	s31 =	sshll.u32 s3, $0xD;
	s3 =	sshrl.u32 s3, $0x2  }
0x30: {  	s2 =	sand.u32 $0x4000, s31;
	s1 =	sadd.s32 s3, s30  }
0x31: {  	s0 =	sor.u32 s2, s0;
	s1 =	sshll.u32 s1, $0x11  }
0x32: {  	s0 =	sor.u32 s1, s0  }
0x33: {  	s0 =	sadd.s32 $0x8F2B, s0  }
0x34: {  	[sflag:s0] =	ssyncadd.remote.s32 $0x1  }
0x35: {  	_ =	sfence.sel $0xFFFF  }
0x36: {  	[dreg:$0x0] =	wrdreg $0xFFFFFFFF;
	(pc) =	sbr.abs _section_cstart, $3  }
0x37: {  	[dreg:$0x1] =	wrdreg $0xFFFFFFFF  }
0x38: {  	_ =	task.clear_ibuf [dreg:s6], $0x2FFFF;
	_ =	strace $0x9FFFFFFF  }
0x39: {  	(tm) =	ssettm $0x7FFFFFFF  }
tec
execute0_lowered:
.L_overlay_start_1:
0x0: {  	(tag) =	ssettag $0x1  }
0x1: {  	s0 =	srdreg.scid  }
0x2: {  	s5 =	rddreg [dreg:$0x0];
	s1 =	stileid.u32;
	s4 =	simm.s32 $0x1  }
0x3: {  	s6 =	simm.s32 $0x2;
	s15 =	simm.s32 $0x0;
	p0 =	por $0x0, $0x0  }
0x4: {  	s8 =	simm.s32 $0x80;
	s14 =	simm.s32 $0x0;
	s2 =	sshll.u32 s0, $0x4  }
0x5: {  	s9 =	simm.s32 $0x0;
	s10 =	simm.s32 $0x0;
	s2 =	sand.u32 $0x10, s2  }
.Ltmp0:
0x6: {  	s12 =	simm.s32 $0x0;
	s3 =	sor.u32 s1, s2;
	(pc) =	sbr.rel .LBB1_1-.Ltmp0, $4  }
0x7: {  	s0 =	rddreg [dreg:$0x1];
	_ =	strace $0x80000047;
	s3 =	sshll.u32 s3, $0x7  }
0x8: {  	s13 =	simm.s32 $0x0;
	[sflag:s4] =	ssyncpa.u1 $0x0;
	s7 =	ssub.s32 $0xF4200, s3  }
0x9: {  	s2 =	sadd.s32 $0x1200, s5;
	[sflag:s6] =	ssyncpa.u1 $0x0;
	s6 =	sshrl.u32 s7, $0xC  }
0xa: {  	s5 =	sadd.s32 $0x3D1C00, s5;
	s11 =	smov.u32 s3;
	s7 =	sadd.s32 $0x2, s6  }
.LBB1_5:
0xb: {  	p1 =	slt.u32 s13, $0x2  }
0xc: {  	s17 =	smov.u32 s15;
	p2 =	sgt.s32 @!p1 s15, $0xF41C0;
	s16 =	sshra.s32 @!p1 s15, $0x1F  }
0xd: {  	p3 =	sgt.s32 @!p1 s14, $0x60;
	s18 =	sshra.s32 @!p1 s14, $0x1F;
	p2 =	por !p2, p1  }
0xe: {  	s15 =	sand.u32 @!p1 s16, s15;
	p3 =	por !p3, p1;
	s16 =	smov.u32 s14  }
0xf: {  	s14 =	sand.u32 @!p1 s18, s14;
	s17 =	simm.s32 @p2 $0xF41C0;
	s16 =	simm.s32 @p3 $0x60  }
0x10: {  	s15 =	ssub.s32 @!p1 s17, s15;
	s14 =	ssub.s32 @!p1 s16, s14  }
0x11: {  	s18 =	smov.u32 s12;
	s16 =	sadd.s32 @!p1 $0xFFF0BE40, s15;
	s17 =	sadd.s32 @!p1 $0xFFFFFFA0, s14  }
0x12: {  	s15 =	ssub.s32 @!p1 $0xF4240, s15;
	p2 =	sgt.s32 @!p1 s16, $0x7F;
	p3 =	sgt.s32 @!p1 s17, $0x1F  }
0x13: {  	s14 =	ssub.s32 @!p1 $0x80, s14;
	p2 =	por !p2, p1;
	p3 =	por !p3, p1  }
0x14: {  	s16 =	sadd.s32 $0x1000, s11;
	s15 =	simm.s32 @!p2 $0x0;
	s14 =	simm.s32 @!p3 $0x0  }
0x15: {  	p2 =	sgt.s32 s16, $0xF423F;
	s14 =	smul.u32 @!p1 s14, s15;
	s15 =	sadd.s32 $0x20, s12  }
0x16: {  	s18 =	smov.u32 @p2 s15  }
0x17: {  	s16 =	smov.u32 @p2 s3;
	p2 =	sgt.s32 s18, $0x1F  }
0x18: {  	s18 =	simm.s32 @p2 $0x0;
	p2 =	sne.s32 s13, s7  }
.Ltmp1:
0x19: {  	p0 =	por !p0, !p0;
	s17 =	simm.s32 @!p1 $0x2;
	(pc) =	sbr.rel @!p2 .LBB1_6-.Ltmp1, $4  }
0x1a: {  	s15 =	smov.u32 s9;
	s9 =	smov.u32 s11;
	s14 =	sand.u32 @!p1 $0x3FFFFFFF, s14  }
0x1b: {  	s11 =	smov.u32 s16;
	_ =	swait.ge @!p1 [sflag:s17], s14;
	s19 =	ssub.s32 @!p1 $0x0, s14  }
0x1c: {  	s14 =	smov.u32 s10;
	s13 =	sadd.s32 $0x1, s13;
	[sflag:s17] =	ssyncset.done @!p1 $0x0  }
0x1d: {  	s10 =	smov.u32 s12;
	s12 =	smov.u32 s18;
	[sflag:s17] =	ssyncadd.s32 @!p1 s19  }
.LBB1_1:
0x1e: {  	p1 =	sgt.u32 s13, s6  }
0x1f: {  	s16 =	sshrl.u32 @!p1 s12, $0x3  }
0x20: {  	s17 =	sshll.u32 @!p1 s11, $0x3;
	s16 =	smul.u32 @!p1 $0x7A1400, s16  }
0x21: {  	s18 =	sshll.u32 @!p1 s12, $0x7;
	s17 =	sand.u32 @!p1 $0xFFFFFC00, s17  }
0x22: {  	s16 =	sadd.s32 @!p1 s16, s17;
	s17 =	sand.u32 @!p1 $0x380, s18  }
0x23: {  	s18 =	sand.u32 @!p1 $0x7F, s11;
	s16 =	sor.u32 @!p1 s17, s16  }
0x24: {  	s17 =	sor.u32 @!p1 s18, s16  }
0x25: {  	s18 =	smulhi.u32 @!p1 $0x218D6287, s17;
	_ =	sdelay $0x1  }
0x26: {  	s16 =	smulhi.u32 @!p1 $0x218D6287, s16;
	s18 =	sshrl.u32 @!p1 s18, $0x11  }
0x27: {  	s18 =	smul.u32 @!p1 $0xF4280, s18  }
0x28: {  	s19 =	sxor.u32 @!p1 $0xFFFFFFFF, s13;
	s16 =	sshrl.u32 @!p1 s16, $0x11  }
0x29: {  	s19 =	sshll.u32 @!p1 s19, $0xC;
	s16 =	sand.u32 @!p1 $0x1F, s16;
	s17 =	ssub.s32 @!p1 s17, s18  }
0x2a: {  	s16 =	smul.u32 @!p1 $0x1E850, s16;
	s18 =	sshrl.u32 @!p1 s17, $0x3;
	s17 =	sand.u32 @!p1 $0x7, s17  }
0x2b: {  	s19 =	sand.u32 @!p1 $0x1000, s19;
	s18 =	sadd.s32 @!p1 s2, s18;
	s17 =	sshll.u32 @!p1 s17, $0x12  }
0x2c: {  	s16 =	sadd.s32 @!p1 s16, s18;
	s17 =	sor.u32 @!p1 $0x400, s17;
	s18 =	simm.s32 @!p1 $0x7A1400  }
0x2d: {  	[tilespmem:s19], [sflag:$0x1] =	stream.strided.gather @!p1 [hbm4b:s16+s17], $0x1000, s18, s17, $0x38;
	[tilespmem:$0x4100] =	vst v63  }
0x2e: {  	p1 =	seq.s32 s13, $0x0  }
0x2f: {  	p2 =	sge.u32 @!p1 s13, s7  }
0x30: {  	p1 =	por p1, p2  }
.Ltmp2:
0x31: {  	_ = 	snop;
	(pc) =	sbr.rel @p1 .LBB1_5-.Ltmp2, $1  }
0x32: {  	_ =	sdelay $0x3  }
0x33: {  	s16 =	simm.s32 $0x1  }
0x34: {  	_ =	swait.ge [sflag:s4], $0x1000;
	s16 =	simm.s32 @!p0 $0x0  }
0x35: {  	[sflag:s4] =	ssyncset.done $0x0;
	s17 =	sshll.u32 s16, $0xC  }
0x36: {  	[sflag:s4] =	ssyncadd.s32 $0xFFFFF000;
	s17 =	sor.u32 $0x40, s17  }
0x37: {  	s16 =	smul.u32 $0x4200, s16;
	v0 =	vld [tilespmem:s17+$0x30]  }
0x38: {  	v1 =	vld [tilespmem:s17+$0xFFFFFFD0]  }
0x39: {  	s16 =	sshrl.u32 s16, $0x2;
	v5 =	vld [tilespmem:s17+$0xFFFFFFE0]  }
0x3a: {  	v6 =	vld [tilespmem:s17+$0xFFFFFFF0];
	s19 =	sor.u32 $0x2000, s16  }
0x3b: {  	s31 =	sand.u32 $0x1, s13;
	v4 =	vld [tilespmem:s17+$0x0];
	s18 =	sadd.s32 $0x0, s19  }
0x3c: {  	v3 =	vld [tilespmem:s17+$0x10];
	s16 =	smul.u32 $0x4200, s31;
	[tilespmem:s18+$0xE70 ss:$0x21] =	vst.msk $0xffff, v0  }
0x3d: {  	v2 =	vld [tilespmem:s17+$0x20];
	[tilespmem:s18+$0x210 ss:$0x21] =	vst.msk $0xffff, v1  }
0x3e: {  	s16 =	sshrl.u32 s16, $0x2;
	v1 =	vld [tilespmem:s17+$0xFFFFFFC0];
	[tilespmem:s18+$0x420 ss:$0x21] =	vst.msk $0xffff, v5;
	s17 =	sadd.s32 $0x80, s17  }
0x3f: {  	s20 =	simm.s32 $0x4;
	s21 =	simm.s32 $0x8;
	s16 =	sor.u32 $0x2000, s16;
	[tilespmem:s18+$0x630 ss:$0x21] =	vst.msk $0xffff, v6;
	v0 =	vld [tilespmem:s17+$0x30]  }
.LBB1_3:
0x40: {  	p1 =	sne.s32 s21, $0x7C;
	v5 =	vld [tilespmem:s17+$0xFFFFFFD0];
	[tilespmem:s18+$0x840 ss:$0x21] =	vst.msk $0xffff, v4  }
0x41: {  	v6 =	vld [tilespmem:s17+$0xFFFFFFE0];
	[tilespmem:s18+$0xA50 ss:$0x21] =	vst.msk $0xffff, v3  }
0x42: {  	s22 =	sshra.s32 s20, $0x2;
	s20 =	smov.u32 s21;
	v7 =	vld [tilespmem:s17+$0xFFFFFFF0];
	[tilespmem:s18+$0xC60 ss:$0x21] =	vst.msk $0xffff, v2  }
.Ltmp3:
0x43: {  	v4 =	vld [tilespmem:s17+$0x0];
	[tilespmem:s18+$0x0 ss:$0x21] =	vst.msk $0xffff, v1;
	s18 =	sadd.s32 s22, s19;
	(pc) =	sbr.rel @p1 .LBB1_3-.Ltmp3, $4  }
0x44: {  	v3 =	vld [tilespmem:s17+$0x10];
	[tilespmem:s18+$0xE70 ss:$0x21] =	vst.msk $0xffff, v0  }
0x45: {  	[tilespmem:s18+$0x210 ss:$0x21] =	vst.msk $0xffff, v5;
	v2 =	vld [tilespmem:s17+$0x20]  }
0x46: {  	v1 =	vld [tilespmem:s17+$0xFFFFFFC0];
	[tilespmem:s18+$0x420 ss:$0x21] =	vst.msk $0xffff, v6;
	s17 =	sadd.s32 $0x80, s17  }
0x47: {  	s21 =	sadd.s32 $0x4, s21;
	v0 =	vld [tilespmem:s17+$0x30];
	[tilespmem:s18+$0x630 ss:$0x21] =	vst.msk $0xffff, v7  }
0x48: {  	s21 =	sshll.u32 s9, $0x7;
	s22 =	sshll.u32 s10, $0x3;
	s20 =	sshra.s32 s20, $0x2  }
0x49: {  	p1 =	sgt.s32 s9, $0xF41C0;
	s30 =	sshra.s32 s9, $0x1F;
	s25 =	sshra.s32 s10, $0x1F  }
0x4a: {  	v5 =	vld [tilespmem:s17+$0xFFFFFFD0];
	s28 =	sshrl.u32 s10, $0x3;
	s23 =	sand.u32 $0xFFFFFC00, s21;
	s22 =	sand.u32 $0xFFFFFC00, s22  }
0x4b: {  	[tilespmem:s18+$0x840 ss:$0x21] =	vst.msk $0xffff, v4;
	v58 =	vld [tilespmem:s17+$0xFFFFFFE0];
	s21 =	sand.u32 $0x380, s21;
	s19 =	sadd.s32 s20, s19;
	s22 =	sadd.s32 s22, s23  }
0x4c: {  	v59 =	vld [tilespmem:s17+$0xFFFFFFF0];
	[tilespmem:s18+$0xA50 ss:$0x21] =	vst.msk $0xffff, v3;
	s29 =	sor.u32 s21, s22;
	s21 =	smov.u32 s9;
	s22 =	sand.u32 s30, s9  }
0x4d: {  	v60 =	vld [tilespmem:s17+$0x0];
	[tilespmem:s18+$0xC60 ss:$0x21] =	vst.msk $0xffff, v2;
	s30 =	sand.u32 $0x7, s10;
	s20 =	sshrl.u32 s29, $0x7;
	s21 =	simm.s32 @!p1 $0xF41C0  }
0x4e: {  	v61 =	vld [tilespmem:s17+$0x10];
	[tilespmem:s18+$0x0 ss:$0x21] =	vst.msk $0xffff, v1;
	p1 =	sgt.s32 s10, $0x60;
	s24 =	ssub.s32 s21, s22;
	s21 =	smov.u32 s10  }
0x4f: {  	v62 =	vld [tilespmem:s17+$0x20];
	[tilespmem:s19+$0xE70 ss:$0x21] =	vst.msk $0xffff, v0;
	s31 =	smulhi.u32 $0x218DEF5, s20;
	s22 =	sand.u32 s25, s10;
	s21 =	simm.s32 @!p1 $0x60  }
0x50: {  	v63 =	vld [tilespmem:s17+$0xFFFFFFC0];
	[tilespmem:s19+$0x210 ss:$0x21] =	vst.msk $0xffff, v5;
	s26 =	sadd.s32 $0xFFF0BE40, s24;
	s17 =	ssub.s32 $0xF4240, s24;
	s21 =	ssub.s32 s21, s22  }
0x51: {  	[tilespmem:s19+$0x420 ss:$0x21] =	vst.msk $0xffff, v58;
	s23 =	sshrl.u32 s31, $0xD;
	p1 =	sgt.s32 s26, $0x7F;
	s27 =	sadd.s32 $0xFFFFFFA0, s21  }
0x52: {  	[tilespmem:s19+$0x630 ss:$0x21] =	vst.msk $0xffff, v59;
	s23 =	smul.u32 $0xF4240, s23;
	s18 =	ssub.s32 $0x80, s21;
	p2 =	sgt.s32 s27, $0x1F  }
.Ltmp4:
0x53: {  	[tilespmem:s19+$0x840 ss:$0x21] =	vst.msk $0xffff, v60;
	s17 =	simm.s32 @p1 $0x0;
	s18 =	simm.s32 @p2 $0x0;
	(pc) =	sbr.rel .LBB1_5-.Ltmp4, $4  }
0x54: {  	s29 =	sand.u32 $0xF, s28;
	[tilespmem:s19+$0xA50 ss:$0x21] =	vst.msk $0xffff, v61;
	s20 =	ssub.s32 s20, s23;
	s17 =	smul.u32 s18, s17  }
0x55: {  	[tilespmem:s19+$0xC60 ss:$0x21] =	vst.msk $0xffff, v62;
	s21 =	sshll.u32 s30, $0x12;
	s20 =	sshll.u32 s20, $0x4;
	s18 =	sadd.s32 s5, s29  }
0x56: {  	[tilespmem:s19+$0x0 ss:$0x21] =	vst.msk $0xffff, v63;
	s31 =	sor.u32 $0x20, s21;
	s18 =	sadd.s32 s20, s18;
	s17 =	sand.u32 $0x3FFFFFFF, s17  }
0x57: {  	[hbm4b:s18+s31] =	stream.strided.scatter [tilespmem:s16], [sflag:$0x2], s17, s8, s31, $0x10;
	[tilespmem:$0x4100] =	vst v63  }
.LBB1_6:
0x58: {  	_ =	sfence.sel $0x180000  }
0x59: {  	s2 =	simm.s32 $0x1;
	[bflag:$0x0] =	sbarrier.arrive $0xFFFF  }
0x5a: {  	s31 =	simm.s32 $0x2;
	[sflag:s2] =	ssyncpa.u1 $0x1  }
0x5b: {  	[sflag:s31] =	ssyncpa.u1 $0x1  }
0x5c: {  	p0 =	sne.s32 s1, $0x0;
	_ =	strace $0x90000047  }
0x5d: {  	s0 =	sadd.s32 @!p0 $0x100000, s0;
	[bflag:$0x2] =	sbarrier.arrive $0xFFFF  }
0x5e: {  	[sflag:s0] =	ssyncadd.tile.s32 @!p0 $0x1;
	_ =	shalt  }
.Lfunc_end1:
_tile_overlayer_lowered:
.L_overlay_start_2:
0x5f: {  	(tag) =	ssettag $0x2  }
0x60: {  	s0 =	rddreg [dreg:$0x0];
	s2 =	stileid.u32  }
0x61: {  	s1 =	rddreg [dreg:$0x1];
	p0 =	sne.s32 s2, $0x0  }
0x62: {  	s3 =	rddreg [dreg:$0x2];
	[bflag:$0x3] =	sbarrier.arrive $0xFFFF;
	s2 =	simm.s32 @!p0 $0x1C01  }
0x63: {  	[timem:s3], [sflag:s2] =	dma.local @!p0 [hbm:s0], s1  }
0x64: {  	s0 =	simm.s32 @!p0 $0x1  }
0x65: {  	_ =	swait.ge @!p0 [sflag:s0], s1  }
0x66: {  	s1 =	ssub.s32 @!p0 $0x0, s1;
	[sflag:s0] =	ssyncset.done @!p0 $0x0  }
0x67: {  	[sflag:s0] =	ssyncadd.s32 @!p0 s1  }
0x68: {  	[bflag:$0x3] =	sbarrier.arrive $0xFFFF  }
0x69: {  	_ =	shalt  }

// kernel: sparse-core-data-format-call.2.cloned.1.call-start
scs
called_computation.2_lowered:
.L_overlay_start_0:
0x0: {  	s2 =	sld [smem:$0x3FD9]  }
0x1: {  	s3 =	sld [smem:$0x3FFE];
	_ =	sdelay $0x1  }
0x2: {  	s1 =	srdreg.scid  }
0x3: {  	s0 =	sand.u32 $0x1, s1  }
0x4: {  	s18 =	sshll.u32 s0, $0xA;
	s2 =	sadd.s32 s3, s2  }
0x5: {  	s2 =	sadd.s32 s2, s18  }
0x6: {  	[smem:$0x3FC2] =	sst s2  }
0x7: {  	_ = 	snop  }
0x8: {  	(tm) =	ssettm $0x1  }
0x9: {  	s19 =	sld [smem:$0x3FFB];
	_ =	sdelay $0x3  }
0xa: {  	_ =	strace s19  }
0xb: {  	s2 =	sld [smem:$0x3FFC];
	_ =	sdelay $0x3  }
0xc: {  	_ =	strace s2  }
0xd: {  	s2 =	sld [smem:$0x3FFD];
	_ =	sdelay $0x3  }
0xe: {  	_ =	strace s2  }
0xf: {  	_ =	strace $0x8FFFFFFF  }
0x10: {  	s20 =	sld [smem:$0x3FDB];
	_ =	sdelay $0x1  }
0x11: {  	s21 =	simm.s32 $_scs_section_size  }
0x12: {  	s4 =	simm.s32 $_size__tile_overlayer_lowered;
	s5 =	simm.s32 $_tile_overlayer_lowered  }
0x13: {  	s6 =	simm.s32 $0x1BFF;
	s22 =	sshll.u32 s5, $0x1;
	s3 =	sadd.s32 s21, s20  }
0x14: {  	s23 =	simm.s32 $0x0;
	s4 =	sshll.u32 s4, $0x1;
	s5 =	sadd.s32 s22, s3  }
0x15: {  	[timem:s23], [sflag:s6] =	dma.local [hbm:s5], s4  }
0x16: {  	_ =	swait.ge [sflag:s6], s4  }
0x17: {  	s4 =	ssub.s32 $0x0, s4;
	[sflag:s6] =	ssyncset.done $0x0  }
0x18: {  	[sflag:s6] =	ssyncadd.s32 s4;
	_ =	sdelay $0x1  }
0x19: {  	s24 =	simm.s32 $0x1B8B  }
0x1a: {  	_ =	swait.ge [sflag:s24], $0x1  }
0x1b: {  	[sflag:s24] =	ssyncset.done $0x0  }
0x1c: {  	[sflag:s24] =	ssyncadd.s32 $0xFFFFFFFF  }
0x1d: {  	s4 =	sld [smem:$0x0]  }
0x1e: {  	s5 =	sand.u32 $0xFFFFFFFE, s1  }
0x1f: {  	p0 =	sne.s32 s1, s5  }
0x20: {  	s5 =	sshll.u32 @p0 s5, $0xE  }
0x21: {  	s5 =	sadd.s32 @p0 $0x11B8D, s5;
	s6 =	sshll.u32 @p0 s4, $0x11  }
0x22: {  	s5 =	sor.u32 @p0 s6, s5  }
0x23: {  	[sflag:s5] =	ssyncadd.remote.s32 @p0 $0x1;
	_ =	sdelay $0x1  }
0x24: {  	s5 =	simm.s32 @p0 $0x1B8D  }
0x25: {  	_ =	swait.eq @p0 [sflag:s5], $0x1  }
0x26: {  	[sflag:s5] =	ssyncadd.s32 @p0 $0xFFFFFFFF  }
0x27: {  	s6 =	sshll.u32 @!p0 s1, $0xE  }
0x28: {  	s6 =	sor.u32 @!p0 $0x4000, s6;
	s5 =	simm.s32 @!p0 $0x1B8D  }
0x29: {  	s4 =	sshll.u32 @!p0 s4, $0x11;
	s6 =	sadd.s32 @!p0 $0x11B8D, s6;
	_ =	swait.eq @!p0 [sflag:s5], $0x1  }
0x2a: {  	s4 =	sor.u32 @!p0 s4, s6;
	[sflag:s5] =	ssyncadd.s32 @!p0 $0xFFFFFFFF  }
0x2b: {  	s26 =	simm.s32 $0x1B8E;
	s25 =	sld [smem:$0x3FFE];
	[sflag:s4] =	ssyncadd.remote.s32 @!p0 $0x1  }
0x2c: {  	s27 =	simm.s32 $execute0_lowered;
	[smem:$0x3FD2] =	sst s26  }
0x2d: {  	s5 =	sshll.u32 s27, $0x1;
	_ =	strace $0x80000049;
	[dreg:$0x1] =	wrdreg $0xFFFFFFFF  }
0x2e: {  	s28 =	simm.s32 $_size_execute0_lowered;
	s3 =	sadd.s32 s3, s5;
	[dreg:$0x0] =	wrdreg $0x0  }
0x2f: {  	s5 =	sshll.u32 s28, $0x1;
	[dreg:$0x2] =	wrdreg s3  }
0x30: {  	[dreg:$0x3] =	wrdreg s5  }
0x31: {  	[dreg:$0x4] =	wrdreg $0xC0  }
0x32: {  	_ =	task [dreg:s23], $0x5FFFF  }
0x33: {  	[dreg:$0x1] =	wrdreg $0xFFFFFFFF  }
0x34: {  	[dreg:$0x0] =	wrdreg $0x60  }
0x35: {  	[dreg:$0x2] =	wrdreg s25  }
0x36: {  	[dreg:$0x3] =	wrdreg $0xA  }
0x37: {  	_ =	task.clear_ibuf [dreg:s23], $0x4FFFF;
	_ =	strace $0x90000049  }
0x38: {  	s29 =	simm.s32 $0xA;
	_ =	strace $0x8000004B  }
0x39: {  	_ =	swait.ge [sflag:s29], $0x1  }
0x3a: {  	[sflag:s29] =	ssyncadd.s32 $0xFFFFFFFF  }
0x3b: {  	_ =	strace $0x9000004B  }
0x3c: {  	_ =	sfence  }
0x3d: {  	s30 =	sld [smem:$0x0];
	_ =	sdelay $0x2  }
0x3e: {  	s31 =	sshll.u32 s1, $0xD;
	s1 =	sshrl.u32 s1, $0x2  }
0x3f: {  	s4 =	sand.u32 $0x4000, s31;
	s1 =	sadd.s32 s1, s30  }
0x40: {  	s0 =	sor.u32 s4, s0;
	s1 =	sshll.u32 s1, $0x11  }
0x41: {  	s0 =	sor.u32 s1, s0  }
0x42: {  	s0 =	sadd.s32 $0x8F2B, s0  }
0x43: {  	[sflag:s0] =	ssyncadd.remote.s32 $0x1  }
0x44: {  	_ =	sfence.sel $0xFFFF  }
0x45: {  	[dreg:$0x0] =	wrdreg $0xFFFFFFFF;
	(pc) =	sbr.abs _section_cstart, $3  }
0x46: {  	[dreg:$0x1] =	wrdreg $0xFFFFFFFF  }
0x47: {  	_ =	task.clear_ibuf [dreg:s23], $0x2FFFF;
	_ =	strace $0x9FFFFFFF  }
0x48: {  	(tm) =	ssettm $0x7FFFFFFF  }
0x49: {  	_ =	shalt  }
tec
execute0_lowered:
.L_overlay_start_1:
0x0: {  	(tag) =	ssettag $0x1  }
0x1: {  	s0 =	srdreg.scid  }
0x2: {  	s5 =	rddreg [dreg:$0x0];
	s1 =	stileid.u32;
	s4 =	simm.s32 $0x1  }
0x3: {  	s6 =	simm.s32 $0x2;
	s15 =	simm.s32 $0x0;
	p0 =	por $0x0, $0x0  }
0x4: {  	s8 =	simm.s32 $0x80;
	s14 =	simm.s32 $0x0;
	s2 =	sshll.u32 s0, $0x4  }
0x5: {  	s9 =	simm.s32 $0x0;
	s10 =	simm.s32 $0x0;
	s2 =	sand.u32 $0x10, s2  }
.Ltmp0:
0x6: {  	s12 =	simm.s32 $0x0;
	s3 =	sor.u32 s1, s2;
	(pc) =	sbr.rel .LBB1_1-.Ltmp0, $4  }
0x7: {  	s0 =	rddreg [dreg:$0x1];
	_ =	strace $0x8000004A;
	s3 =	sshll.u32 s3, $0x7  }
0x8: {  	s13 =	simm.s32 $0x0;
	[sflag:s4] =	ssyncpa.u1 $0x0;
	s7 =	ssub.s32 $0xF4200, s3  }
0x9: {  	s2 =	sadd.s32 $0x1314000, s5;
	[sflag:s6] =	ssyncpa.u1 $0x0;
	s6 =	sshrl.u32 s7, $0xC  }
0xa: {  	s5 =	sadd.s32 $0x16E4A00, s5;
	s11 =	smov.u32 s3;
	s7 =	sadd.s32 $0x2, s6  }
.LBB1_5:
0xb: {  	p1 =	slt.u32 s13, $0x2  }
0xc: {  	s17 =	smov.u32 s15;
	p2 =	sgt.s32 @!p1 s15, $0xF41C0;
	s16 =	sshra.s32 @!p1 s15, $0x1F  }
0xd: {  	p3 =	sgt.s32 @!p1 s14, $0x60;
	s18 =	sshra.s32 @!p1 s14, $0x1F;
	p2 =	por !p2, p1  }
0xe: {  	s15 =	sand.u32 @!p1 s16, s15;
	p3 =	por !p3, p1;
	s16 =	smov.u32 s14  }
0xf: {  	s14 =	sand.u32 @!p1 s18, s14;
	s17 =	simm.s32 @p2 $0xF41C0;
	s16 =	simm.s32 @p3 $0x60  }
0x10: {  	s15 =	ssub.s32 @!p1 s17, s15;
	s14 =	ssub.s32 @!p1 s16, s14  }
0x11: {  	s18 =	smov.u32 s12;
	s16 =	sadd.s32 @!p1 $0xFFF0BE40, s15;
	s17 =	sadd.s32 @!p1 $0xFFFFFFA0, s14  }
0x12: {  	s15 =	ssub.s32 @!p1 $0xF4240, s15;
	p2 =	sgt.s32 @!p1 s16, $0x7F;
	p3 =	sgt.s32 @!p1 s17, $0x1F  }
0x13: {  	s14 =	ssub.s32 @!p1 $0x80, s14;
	p2 =	por !p2, p1;
	p3 =	por !p3, p1  }
0x14: {  	s16 =	sadd.s32 $0x1000, s11;
	s15 =	simm.s32 @!p2 $0x0;
	s14 =	simm.s32 @!p3 $0x0  }
0x15: {  	p2 =	sgt.s32 s16, $0xF423F;
	s14 =	smul.u32 @!p1 s14, s15;
	s15 =	sadd.s32 $0x20, s12  }
0x16: {  	s18 =	smov.u32 @p2 s15  }
0x17: {  	s16 =	smov.u32 @p2 s3;
	p2 =	sgt.s32 s18, $0x1F  }
0x18: {  	s18 =	simm.s32 @p2 $0x0;
	p2 =	sne.s32 s13, s7  }
.Ltmp1:
0x19: {  	p0 =	por !p0, !p0;
	s17 =	simm.s32 @!p1 $0x2;
	(pc) =	sbr.rel @!p2 .LBB1_6-.Ltmp1, $4  }
0x1a: {  	s15 =	smov.u32 s9;
	s9 =	smov.u32 s11;
	s14 =	sand.u32 @!p1 $0x3FFFFFFF, s14  }
0x1b: {  	s11 =	smov.u32 s16;
	_ =	swait.ge @!p1 [sflag:s17], s14;
	s19 =	ssub.s32 @!p1 $0x0, s14  }
0x1c: {  	s14 =	smov.u32 s10;
	s13 =	sadd.s32 $0x1, s13;
	[sflag:s17] =	ssyncset.done @!p1 $0x0  }
0x1d: {  	s10 =	smov.u32 s12;
	s12 =	smov.u32 s18;
	[sflag:s17] =	ssyncadd.s32 @!p1 s19  }
.LBB1_1:
0x1e: {  	p1 =	sgt.u32 s13, s6  }
0x1f: {  	s16 =	sshrl.u32 @!p1 s12, $0x3  }
0x20: {  	s17 =	sshll.u32 @!p1 s11, $0x3;
	s16 =	smul.u32 @!p1 $0x7A1400, s16  }
0x21: {  	s18 =	sshll.u32 @!p1 s12, $0x7;
	s17 =	sand.u32 @!p1 $0xFFFFFC00, s17  }
0x22: {  	s16 =	sadd.s32 @!p1 s16, s17;
	s17 =	sand.u32 @!p1 $0x380, s18  }
0x23: {  	s18 =	sand.u32 @!p1 $0x7F, s11;
	s16 =	sor.u32 @!p1 s17, s16  }
0x24: {  	s17 =	sor.u32 @!p1 s18, s16  }
0x25: {  	s18 =	smulhi.u32 @!p1 $0x218D6287, s17;
	_ =	sdelay $0x1  }
0x26: {  	s16 =	smulhi.u32 @!p1 $0x218D6287, s16;
	s18 =	sshrl.u32 @!p1 s18, $0x11  }
0x27: {  	s18 =	smul.u32 @!p1 $0xF4280, s18  }
0x28: {  	s19 =	sxor.u32 @!p1 $0xFFFFFFFF, s13;
	s16 =	sshrl.u32 @!p1 s16, $0x11  }
0x29: {  	s19 =	sshll.u32 @!p1 s19, $0xC;
	s16 =	sand.u32 @!p1 $0x1F, s16;
	s17 =	ssub.s32 @!p1 s17, s18  }
0x2a: {  	s16 =	smul.u32 @!p1 $0x1E850, s16;
	s18 =	sshrl.u32 @!p1 s17, $0x3;
	s17 =	sand.u32 @!p1 $0x7, s17  }
0x2b: {  	s19 =	sand.u32 @!p1 $0x1000, s19;
	s18 =	sadd.s32 @!p1 s2, s18;
	s17 =	sshll.u32 @!p1 s17, $0x12  }
0x2c: {  	s16 =	sadd.s32 @!p1 s16, s18;
	s17 =	sor.u32 @!p1 $0x400, s17;
	s18 =	simm.s32 @!p1 $0x7A1400  }
0x2d: {  	[tilespmem:s19], [sflag:$0x1] =	stream.strided.gather @!p1 [hbm4b:s16+s17], $0x1000, s18, s17, $0x38;
	[tilespmem:$0x4100] =	vst v63  }
0x2e: {  	p1 =	seq.s32 s13, $0x0  }
0x2f: {  	p2 =	sge.u32 @!p1 s13, s7  }
0x30: {  	p1 =	por p1, p2  }
.Ltmp2:
0x31: {  	_ = 	snop;
	(pc) =	sbr.rel @p1 .LBB1_5-.Ltmp2, $1  }
0x32: {  	_ =	sdelay $0x3  }
0x33: {  	s16 =	simm.s32 $0x1  }
0x34: {  	_ =	swait.ge [sflag:s4], $0x1000;
	s16 =	simm.s32 @!p0 $0x0  }
0x35: {  	[sflag:s4] =	ssyncset.done $0x0;
	s17 =	sshll.u32 s16, $0xC  }
0x36: {  	[sflag:s4] =	ssyncadd.s32 $0xFFFFF000;
	s17 =	sor.u32 $0x40, s17  }
0x37: {  	s16 =	smul.u32 $0x4200, s16;
	v0 =	vld [tilespmem:s17+$0x30]  }
0x38: {  	v1 =	vld [tilespmem:s17+$0xFFFFFFD0]  }
0x39: {  	s16 =	sshrl.u32 s16, $0x2;
	v5 =	vld [tilespmem:s17+$0xFFFFFFE0]  }
0x3a: {  	v6 =	vld [tilespmem:s17+$0xFFFFFFF0];
	s19 =	sor.u32 $0x2000, s16  }
0x3b: {  	s31 =	sand.u32 $0x1, s13;
	v4 =	vld [tilespmem:s17+$0x0];
	s18 =	sadd.s32 $0x0, s19  }
0x3c: {  	v3 =	vld [tilespmem:s17+$0x10];
	s16 =	smul.u32 $0x4200, s31;
	[tilespmem:s18+$0xE70 ss:$0x21] =	vst.msk $0xffff, v0  }
0x3d: {  	v2 =	vld [tilespmem:s17+$0x20];
	[tilespmem:s18+$0x210 ss:$0x21] =	vst.msk $0xffff, v1  }
0x3e: {  	s16 =	sshrl.u32 s16, $0x2;
	v1 =	vld [tilespmem:s17+$0xFFFFFFC0];
	[tilespmem:s18+$0x420 ss:$0x21] =	vst.msk $0xffff, v5;
	s17 =	sadd.s32 $0x80, s17  }
0x3f: {  	s20 =	simm.s32 $0x4;
	s21 =	simm.s32 $0x8;
	s16 =	sor.u32 $0x2000, s16;
	[tilespmem:s18+$0x630 ss:$0x21] =	vst.msk $0xffff, v6;
	v0 =	vld [tilespmem:s17+$0x30]  }
.LBB1_3:
0x40: {  	p1 =	sne.s32 s21, $0x7C;
	v5 =	vld [tilespmem:s17+$0xFFFFFFD0];
	[tilespmem:s18+$0x840 ss:$0x21] =	vst.msk $0xffff, v4  }
0x41: {  	v6 =	vld [tilespmem:s17+$0xFFFFFFE0];
	[tilespmem:s18+$0xA50 ss:$0x21] =	vst.msk $0xffff, v3  }
0x42: {  	s22 =	sshra.s32 s20, $0x2;
	s20 =	smov.u32 s21;
	v7 =	vld [tilespmem:s17+$0xFFFFFFF0];
	[tilespmem:s18+$0xC60 ss:$0x21] =	vst.msk $0xffff, v2  }
.Ltmp3:
0x43: {  	v4 =	vld [tilespmem:s17+$0x0];
	[tilespmem:s18+$0x0 ss:$0x21] =	vst.msk $0xffff, v1;
	s18 =	sadd.s32 s22, s19;
	(pc) =	sbr.rel @p1 .LBB1_3-.Ltmp3, $4  }
0x44: {  	v3 =	vld [tilespmem:s17+$0x10];
	[tilespmem:s18+$0xE70 ss:$0x21] =	vst.msk $0xffff, v0  }
0x45: {  	[tilespmem:s18+$0x210 ss:$0x21] =	vst.msk $0xffff, v5;
	v2 =	vld [tilespmem:s17+$0x20]  }
0x46: {  	v1 =	vld [tilespmem:s17+$0xFFFFFFC0];
	[tilespmem:s18+$0x420 ss:$0x21] =	vst.msk $0xffff, v6;
	s17 =	sadd.s32 $0x80, s17  }
0x47: {  	s21 =	sadd.s32 $0x4, s21;
	v0 =	vld [tilespmem:s17+$0x30];
	[tilespmem:s18+$0x630 ss:$0x21] =	vst.msk $0xffff, v7  }
0x48: {  	s21 =	sshll.u32 s9, $0x7;
	s22 =	sshll.u32 s10, $0x3;
	s20 =	sshra.s32 s20, $0x2  }
0x49: {  	p1 =	sgt.s32 s9, $0xF41C0;
	s30 =	sshra.s32 s9, $0x1F;
	s25 =	sshra.s32 s10, $0x1F  }
0x4a: {  	v5 =	vld [tilespmem:s17+$0xFFFFFFD0];
	s28 =	sshrl.u32 s10, $0x3;
	s23 =	sand.u32 $0xFFFFFC00, s21;
	s22 =	sand.u32 $0xFFFFFC00, s22  }
0x4b: {  	[tilespmem:s18+$0x840 ss:$0x21] =	vst.msk $0xffff, v4;
	v58 =	vld [tilespmem:s17+$0xFFFFFFE0];
	s21 =	sand.u32 $0x380, s21;
	s19 =	sadd.s32 s20, s19;
	s22 =	sadd.s32 s22, s23  }
0x4c: {  	v59 =	vld [tilespmem:s17+$0xFFFFFFF0];
	[tilespmem:s18+$0xA50 ss:$0x21] =	vst.msk $0xffff, v3;
	s29 =	sor.u32 s21, s22;
	s21 =	smov.u32 s9;
	s22 =	sand.u32 s30, s9  }
0x4d: {  	v60 =	vld [tilespmem:s17+$0x0];
	[tilespmem:s18+$0xC60 ss:$0x21] =	vst.msk $0xffff, v2;
	s30 =	sand.u32 $0x7, s10;
	s20 =	sshrl.u32 s29, $0x7;
	s21 =	simm.s32 @!p1 $0xF41C0  }
0x4e: {  	v61 =	vld [tilespmem:s17+$0x10];
	[tilespmem:s18+$0x0 ss:$0x21] =	vst.msk $0xffff, v1;
	p1 =	sgt.s32 s10, $0x60;
	s24 =	ssub.s32 s21, s22;
	s21 =	smov.u32 s10  }
0x4f: {  	v62 =	vld [tilespmem:s17+$0x20];
	[tilespmem:s19+$0xE70 ss:$0x21] =	vst.msk $0xffff, v0;
	s31 =	smulhi.u32 $0x218DEF5, s20;
	s22 =	sand.u32 s25, s10;
	s21 =	simm.s32 @!p1 $0x60  }
0x50: {  	v63 =	vld [tilespmem:s17+$0xFFFFFFC0];
	[tilespmem:s19+$0x210 ss:$0x21] =	vst.msk $0xffff, v5;
	s26 =	sadd.s32 $0xFFF0BE40, s24;
	s17 =	ssub.s32 $0xF4240, s24;
	s21 =	ssub.s32 s21, s22  }
0x51: {  	[tilespmem:s19+$0x420 ss:$0x21] =	vst.msk $0xffff, v58;
	s23 =	sshrl.u32 s31, $0xD;
	p1 =	sgt.s32 s26, $0x7F;
	s27 =	sadd.s32 $0xFFFFFFA0, s21  }
0x52: {  	[tilespmem:s19+$0x630 ss:$0x21] =	vst.msk $0xffff, v59;
	s23 =	smul.u32 $0xF4240, s23;
	s18 =	ssub.s32 $0x80, s21;
	p2 =	sgt.s32 s27, $0x1F  }
.Ltmp4:
0x53: {  	[tilespmem:s19+$0x840 ss:$0x21] =	vst.msk $0xffff, v60;
	s17 =	simm.s32 @p1 $0x0;
	s18 =	simm.s32 @p2 $0x0;
	(pc) =	sbr.rel .LBB1_5-.Ltmp4, $4  }
0x54: {  	s29 =	sand.u32 $0xF, s28;
	[tilespmem:s19+$0xA50 ss:$0x21] =	vst.msk $0xffff, v61;
	s20 =	ssub.s32 s20, s23;
	s17 =	smul.u32 s18, s17  }
0x55: {  	[tilespmem:s19+$0xC60 ss:$0x21] =	vst.msk $0xffff, v62;
	s21 =	sshll.u32 s30, $0x12;
	s20 =	sshll.u32 s20, $0x4;
	s18 =	sadd.s32 s5, s29  }
0x56: {  	[tilespmem:s19+$0x0 ss:$0x21] =	vst.msk $0xffff, v63;
	s31 =	sor.u32 $0x20, s21;
	s18 =	sadd.s32 s20, s18;
	s17 =	sand.u32 $0x3FFFFFFF, s17  }
0x57: {  	[hbm4b:s18+s31] =	stream.strided.scatter [tilespmem:s16], [sflag:$0x2], s17, s8, s31, $0x10;
	[tilespmem:$0x4100] =	vst v63  }
.LBB1_6:
0x58: {  	_ =	sfence.sel $0x180000  }
0x59: {  	s2 =	simm.s32 $0x1;
	[bflag:$0x0] =	sbarrier.arrive $0xFFFF  }
0x5a: {  	s31 =	simm.s32 $0x2;
	[sflag:s2] =	ssyncpa.u1 $0x1  }
0x5b: {  	[sflag:s31] =	ssyncpa.u1 $0x1  }
0x5c: {  	p0 =	sne.s32 s1, $0x0;
	_ =	strace $0x9000004A  }
0x5d: {  	s0 =	sadd.s32 @!p0 $0x100000, s0;
	[bflag:$0x2] =	sbarrier.arrive $0xFFFF  }
0x5e: {  	[sflag:s0] =	ssyncadd.tile.s32 @!p0 $0x1;
	_ =	shalt  }
.Lfunc_end1:
_tile_overlayer_lowered:
.L_overlay_start_2:
0x5f: {  	(tag) =	ssettag $0x2  }
0x60: {  	s0 =	rddreg [dreg:$0x0];
	s2 =	stileid.u32  }
0x61: {  	s1 =	rddreg [dreg:$0x1];
	p0 =	sne.s32 s2, $0x0  }
0x62: {  	s3 =	rddreg [dreg:$0x2];
	[bflag:$0x3] =	sbarrier.arrive $0xFFFF;
	s2 =	simm.s32 @!p0 $0x1C01  }
0x63: {  	[timem:s3], [sflag:s2] =	dma.local @!p0 [hbm:s0], s1  }
0x64: {  	s0 =	simm.s32 @!p0 $0x1  }
0x65: {  	_ =	swait.ge @!p0 [sflag:s0], s1  }
0x66: {  	s1 =	ssub.s32 @!p0 $0x0, s1;
	[sflag:s0] =	ssyncset.done @!p0 $0x0  }
0x67: {  	[sflag:s0] =	ssyncadd.s32 @!p0 s1  }
0x68: {  	[bflag:$0x3] =	sbarrier.arrive $0xFFFF  }
0x69: {  	_ =	shalt  }

// kernel: sparse-core-data-format-call.cloned.1.call-start
scs
called_computation_lowered:
.L_overlay_start_0:
0x0: {  	s2 =	sld [smem:$0x3FD9]  }
0x1: {  	s3 =	sld [smem:$0x3FFE];
	_ =	sdelay $0x1  }
0x2: {  	s1 =	srdreg.scid  }
0x3: {  	s0 =	sand.u32 $0x1, s1  }
0x4: {  	s18 =	sshll.u32 s0, $0xA;
	s2 =	sadd.s32 s3, s2  }
0x5: {  	s2 =	sadd.s32 s2, s18  }
0x6: {  	[smem:$0x3FC2] =	sst s2  }
0x7: {  	_ = 	snop  }
0x8: {  	s2 =	sld [smem:$0x3FD0];
	(tm) =	ssettm $0x1  }
0x9: {  	s19 =	sld [smem:$0x3FFB];
	_ =	sdelay $0x3  }
0xa: {  	_ =	strace s19  }
0xb: {  	s3 =	sld [smem:$0x3FFC];
	_ =	sdelay $0x3  }
0xc: {  	_ =	strace s3  }
0xd: {  	s3 =	sld [smem:$0x3FFD];
	_ =	sdelay $0x3  }
0xe: {  	_ =	strace s3  }
0xf: {  	_ =	strace $0x8FFFFFFF  }
0x10: {  	s20 =	sld [smem:$0x3FDB];
	_ =	sdelay $0x1  }
0x11: {  	s4 =	simm.s32 $_scs_section_size  }
0x12: {  	s5 =	simm.s32 $_size__tile_overlayer_lowered;
	s6 =	simm.s32 $_tile_overlayer_lowered  }
0x13: {  	s23 =	simm.s32 $0x1BFF;
	s22 =	sshll.u32 s6, $0x1;
	s3 =	sadd.s32 s4, s20  }
0x14: {  	s7 =	simm.s32 $0x0;
	s21 =	sshll.u32 s5, $0x1;
	s5 =	sadd.s32 s22, s3  }
0x15: {  	[timem:s7], [sflag:s23] =	dma.local [hbm:s5], s21  }
0x16: {  	_ =	swait.ge [sflag:s23], s21  }
0x17: {  	s4 =	ssub.s32 $0x0, s21;
	[sflag:s23] =	ssyncset.done $0x0  }
0x18: {  	[sflag:s23] =	ssyncadd.s32 s4;
	_ =	sdelay $0x1  }
0x19: {  	s24 =	simm.s32 $0x1B8B  }
0x1a: {  	_ =	swait.ge [sflag:s24], $0x1  }
0x1b: {  	[sflag:s24] =	ssyncset.done $0x0  }
0x1c: {  	s26 =	simm.s32 $0x1B8E;
	s25 =	sld [smem:$0x3FFE];
	[sflag:s24] =	ssyncadd.s32 $0xFFFFFFFF  }
0x1d: {  	s27 =	simm.s32 $execute0_lowered;
	[smem:$0x3FD2] =	sst s26  }
0x1e: {  	s5 =	sshll.u32 s27, $0x1;
	_ =	strace $0x8000004F;
	[dreg:$0x1] =	wrdreg $0xFFFFFFFF  }
0x1f: {  	s28 =	simm.s32 $_size_execute0_lowered;
	s3 =	sadd.s32 s3, s5;
	[dreg:$0x0] =	wrdreg $0x0  }
0x20: {  	s5 =	sshll.u32 s28, $0x1;
	[dreg:$0x2] =	wrdreg s3  }
0x21: {  	[dreg:$0x3] =	wrdreg s5  }
0x22: {  	[dreg:$0x4] =	wrdreg $0xC0  }
0x23: {  	_ =	task [dreg:s7], $0x5FFFF  }
0x24: {  	[dreg:$0x1] =	wrdreg $0xFFFFFFFF  }
0x25: {  	[dreg:$0x0] =	wrdreg $0x60  }
0x26: {  	[dreg:$0x2] =	wrdreg s25  }
0x27: {  	[dreg:$0x3] =	wrdreg s2  }
0x28: {  	[dreg:$0x4] =	wrdreg $0x9  }
0x29: {  	_ =	task.clear_ibuf [dreg:s7], $0x5FFFF;
	_ =	strace $0x9000004F  }
0x2a: {  	s29 =	simm.s32 $0x9;
	_ =	strace $0x80000051  }
0x2b: {  	_ =	swait.ge [sflag:s29], $0x1  }
0x2c: {  	[sflag:s29] =	ssyncadd.s32 $0xFFFFFFFF  }
0x2d: {  	_ =	strace $0x90000051  }
0x2e: {  	_ =	sfence  }
0x2f: {  	s30 =	sld [smem:$0x0];
	_ =	sdelay $0x2  }
0x30: {  	s31 =	sshll.u32 s1, $0xD;
	s1 =	sshrl.u32 s1, $0x2  }
0x31: {  	s3 =	sand.u32 $0x4000, s31;
	s1 =	sadd.s32 s1, s30  }
0x32: {  	s0 =	sor.u32 s3, s0;
	s1 =	sshll.u32 s1, $0x11  }
0x33: {  	s0 =	sor.u32 s1, s0  }
0x34: {  	s0 =	sadd.s32 $0x8F2B, s0  }
0x35: {  	[sflag:s0] =	ssyncadd.remote.s32 $0x1  }
0x36: {  	_ =	sfence.sel $0xFFFF  }
0x37: {  	[dreg:$0x0] =	wrdreg $0xFFFFFFFF;
	(pc) =	sbr.abs _section_cstart, $3  }
0x38: {  	[dreg:$0x1] =	wrdreg $0xFFFFFFFF  }
0x39: {  	_ =	task.clear_ibuf [dreg:s7], $0x2FFFF;
	_ =	strace $0x9FFFFFFF  }
0x3a: {  	(tm) =	ssettm $0x7FFFFFFF  }
0x3b: {  	_ =	shalt  }
tec
execute0_lowered:
.L_overlay_start_1:
0x0: {  	(tag) =	ssettag $0x1  }
0x1: {  	s0 =	srdreg.scid  }
0x2: {  	s1 =	sshll.u32 s0, $0x4  }
0x3: {  	s4 =	rddreg [dreg:$0x0];
	s0 =	stileid.u32;
	s1 =	sand.u32 $0x10, s1  }
0x4: {  	s2 =	rddreg [dreg:$0x1];
	s7 =	simm.s32 $0x1;
	s1 =	sor.u32 s0, s1  }
0x5: {  	s8 =	simm.s32 $0x2;
	s11 =	simm.s32 $0x0;
	s3 =	sshll.u32 s1, $0x7  }
0x6: {  	s10 =	simm.s32 $0x0;
	s4 =	sadd.s32 $0x1200, s4;
	s6 =	ssub.s32 $0xC8000, s3  }
.Ltmp0:
0x7: {  	s1 =	rddreg [dreg:$0x2];
	s5 =	sand.u32 $0xF80, s6;
	(pc) =	sbr.rel .LBB1_1-.Ltmp0, $4  }
0x8: {  	_ =	strace $0x80000050;
	s9 =	smov.u32 s3;
	p0 =	sne.s32 s5, $0x0  }
0x9: {  	s6 =	sshrl.u32 s6, $0xC;
	s5 =	simm.s32 $0x1;
	s7 =	simm.s32 @!p0 $0x0  }
0xa: {  	[sflag:s5] =	ssyncpa.u1 $0x0;
	p0 =	por $0x0, $0x0;
	s6 =	sadd.s32 s7, s6  }
0xb: {  	[sflag:s8] =	ssyncpa.u1 $0x0;
	s8 =	simm.s32 $0x640000;
	s7 =	sadd.s32 $0x1, s6  }
.LBB1_4:
0xc: {  	s14 =	sshll.u32 s11, $0x3  }
0xd: {  	s30 =	sand.u32 $0x7F, s11;
	s15 =	sand.u32 $0xFFFFFC00, s14  }
0xe: {  	s11 =	sor.u32 s30, s15  }
0xf: {  	s15 =	smulhi.u32 $0x51EB851F, s11  }
0x10: {  	s14 =	smulhi.u32 $0x51EB851F, s14  }
0x11: {  	s15 =	sshrl.u32 s15, $0x12  }
0x12: {  	s14 =	sshrl.u32 s14, $0x12;
	s15 =	smul.u32 $0xC8000, s15  }
0x13: {  	s14 =	sand.u32 $0x1F, s14  }
0x14: {  	s14 =	smul.u32 $0x19000, s14;
	s11 =	ssub.s32 s11, s15  }
0x15: {  	s15 =	sand.u32 $0x7, s11  }
0x16: {  	s14 =	sadd.s32 s2, s14;
	s11 =	sshrl.u32 s11, $0x3;
	s15 =	sshll.u32 s15, $0x12  }
0x17: {  	[tilespmem:s13+$0x0 ss:$0x81] =	vst.msk $0xffff, v0;
	s11 =	sadd.s32 s11, s14;
	s31 =	sor.u32 $0x400, s15  }
0x18: {  	[hbm4b:s11+s31] =	stream.strided.scatter [tilespmem:s12], [sflag:$0x2], $0x1000, s8, s31, $0x20;
	[tilespmem:$0x4040] =	vst v63  }
.LBB1_5:
0x19: {  	s13 =	sadd.s32 $0x1000, s9  }
0x1a: {  	p2 =	sgt.s32 s13, $0xC7FFF  }
0x1b: {  	s13 =	smov.u32 @p2 s3;
	p2 =	sne.s32 s10, s7  }
.Ltmp1:
0x1c: {  	p1 =	slt.u32 s10, $0x2;
	(pc) =	sbr.rel @!p2 .LBB1_6-.Ltmp1, $4  }
0x1d: {  	s12 =	simm.s32 @!p1 $0x2  }
0x1e: {  	s14 =	sadd.s32 $0x1, s10;
	_ =	swait.ge @!p1 [sflag:s12], $0x1000  }
0x1f: {  	s11 =	smov.u32 s9;
	p0 =	por !p0, !p0;
	[sflag:s12] =	ssyncset.done @!p1 $0x0  }
0x20: {  	s10 =	smov.u32 s14;
	s9 =	smov.u32 s13;
	[sflag:s12] =	ssyncadd.s32 @!p1 $0xFFFFF000  }
.LBB1_1:
0x21: {  	p1 =	sge.u32 s10, s6  }
0x22: {  	s12 =	sand.u32 @!p1 $0x1FFFFFF, s9  }
0x23: {  	s13 =	smulhi.u32 @!p1 $0x147AE15, s12;
	_ =	sdelay $0x1  }
0x24: {  	s13 =	sshrl.u32 @!p1 s13, $0xC  }
0x25: {  	s13 =	smul.u32 @!p1 $0xC8000, s13;
	_ =	sdelay $0x1  }
0x26: {  	s31 =	sadd.s32 $0xFFFFFFFF, s10;
	s14 =	sxor.u32 @!p1 $0xFFFFFFFF, s10;
	s12 =	ssub.s32 @!p1 s12, s13  }
0x27: {  	s15 =	simm.s32 @!p1 $0x80;
	s14 =	sshll.u32 @!p1 s14, $0xC;
	s12 =	sshll.u32 @!p1 s12, $0x4  }
0x28: {  	s13 =	sand.u32 @!p1 $0x1000, s14;
	s14 =	simm.s32 @!p1 $0x20;
	s12 =	sadd.s32 @!p1 s4, s12  }
0x29: {  	[tilespmem:s13], [sflag:$0x1] =	stream.strided.gather @!p1 [hbm4b:s12+s14], $0x1000, s15, s14, $0x38;
	[tilespmem:$0x4040] =	vst v63  }
0x2a: {  	p1 =	sge.u32 s31, s6  }
.Ltmp2:
0x2b: {  	_ = 	snop;
	(pc) =	sbr.rel @p1 .LBB1_5-.Ltmp2, $1  }
0x2c: {  	_ =	sdelay $0x3  }
0x2d: {  	s12 =	simm.s32 $0x1  }
0x2e: {  	_ =	swait.ge [sflag:s5], $0x1000;
	s12 =	simm.s32 @!p0 $0x0  }
0x2f: {  	[sflag:s5] =	ssyncset.done $0x0;
	s13 =	sshll.u32 s12, $0xC  }
0x30: {  	[sflag:s5] =	ssyncadd.s32 $0xFFFFF000;
	s16 =	sor.u32 $0x10, s13  }
0x31: {  	s12 =	smul.u32 $0x4080, s12;
	v1 =	vld [tilespmem:s16+$0x0]  }
0x32: {  	s30 =	sand.u32 $0x1, s10;
	v0 =	vld [tilespmem:s16+$0xFFFFFFF0]  }
0x33: {  	s13 =	smul.u32 $0x4080, s30;
	s12 =	sshrl.u32 s12, $0x2  }
0x34: {  	s14 =	sor.u32 $0x2000, s12  }
0x35: {  	s31 =	sshrl.u32 s13, $0x2;
	s13 =	sadd.s32 $0x0, s14  }
0x36: {  	s15 =	simm.s32 $0x4;
	s16 =	sadd.s32 $0x20, s16;
	s12 =	sor.u32 $0x2000, s31;
	[tilespmem:s13+$0x810 ss:$0x81] =	vst.msk $0xffff, v1  }
.LBB1_3:
0x37: {  	v1 =	vld [tilespmem:s16+$0x0];
	p1 =	sne.s32 s15, $0x1FC;
	[tilespmem:s13+$0x0 ss:$0x81] =	vst.msk $0xffff, v0;
	s13 =	smov.u32 s15;
	s15 =	sadd.s32 $0x4, s15  }
.Ltmp3:
0x38: {  	v0 =	vld [tilespmem:s16+$0xFFFFFFF0];
	(pc) =	sbr.rel @p1 .LBB1_3-.Ltmp3, $4  }
0x39: {  	_ = 	snop  }
0x3a: {  	s13 =	sshra.s32 s13, $0x2  }
0x3b: {  	s13 =	sadd.s32 s13, s14  }
0x3c: {  	s16 =	sadd.s32 $0x20, s16;
	[tilespmem:s13+$0x810 ss:$0x81] =	vst.msk $0xffff, v1  }
.Ltmp4:
0x3d: {  	_ = 	snop;
	(pc) =	sbr.rel .LBB1_4-.Ltmp4, $1  }
0x3e: {  	_ =	sdelay $0x3  }
.LBB1_6:
0x3f: {  	_ =	sfence.sel $0x180000  }
0x40: {  	s2 =	simm.s32 $0x1;
	[bflag:$0x0] =	sbarrier.arrive $0xFFFF  }
0x41: {  	s31 =	simm.s32 $0x2;
	[sflag:s2] =	ssyncpa.u1 $0x1  }
0x42: {  	[sflag:s31] =	ssyncpa.u1 $0x1  }
0x43: {  	p0 =	sne.s32 s0, $0x0;
	_ =	strace $0x90000050  }
0x44: {  	s0 =	sadd.s32 @!p0 $0x100000, s1;
	[bflag:$0x2] =	sbarrier.arrive $0xFFFF  }
0x45: {  	[sflag:s0] =	ssyncadd.tile.s32 @!p0 $0x1;
	_ =	shalt  }
.Lfunc_end1:
_tile_overlayer_lowered:
.L_overlay_start_2:
0x46: {  	(tag) =	ssettag $0x2  }
0x47: {  	s0 =	rddreg [dreg:$0x0];
	s2 =	stileid.u32  }
0x48: {  	s1 =	rddreg [dreg:$0x1];
	p0 =	sne.s32 s2, $0x0  }
0x49: {  	s3 =	rddreg [dreg:$0x2];
	[bflag:$0x3] =	sbarrier.arrive $0xFFFF;
	s2 =	simm.s32 @!p0 $0x1C01  }
0x4a: {  	[timem:s3], [sflag:s2] =	dma.local @!p0 [hbm:s0], s1  }
0x4b: {  	s0 =	simm.s32 @!p0 $0x1  }
0x4c: {  	_ =	swait.ge @!p0 [sflag:s0], s1  }
0x4d: {  	s1 =	ssub.s32 @!p0 $0x0, s1;
	[sflag:s0] =	ssyncset.done @!p0 $0x0  }
0x4e: {  	[sflag:s0] =	ssyncadd.s32 @!p0 s1  }
0x4f: {  	[bflag:$0x3] =	sbarrier.arrive $0xFFFF  }
0x50: {  	_ =	shalt  }

</sc_bundles>
